<compile_context>
chip_gen: v7x
topology: tpu7x:2x2x1
jax: 0.10.2.dev20260603
libtpu: 0.0.44.dev20260713+nightly
codegen_flags: <defaults>
</compile_context>

<pallas_src>
import jax
import jax.numpy as jnp
from jax import lax
from jax.experimental import pallas as pl
from jax.experimental.pallas import tpu as pltpu
from jax.experimental.pallas import tpu_sc as plsc

N_SRC = 10000
N_DST = 10000
E = 320000
D = 128
HID = 128
NEG_SLOPE = 0.2

NC = 2
NS = 16
L = 16
NPAD = 10240
SLICE = NPAD // NS
E_PER_TILE = E // NS
E_PER_WORKER = E // (NC * NS)


def _proj_kernel(xs_ref, xd_ref, ws_ref, wd_ref, as_ref, ad_ref,
                 os_ref, od_ref):
    vs = jnp.dot(ws_ref[...], as_ref[...], preferred_element_type=jnp.float32)
    vd = jnp.dot(wd_ref[...], ad_ref[...], preferred_element_type=jnp.float32)
    os_ref[...] = jnp.dot(xs_ref[...], vs,
                          preferred_element_type=jnp.float32).reshape(N_SRC)
    od_ref[...] = jnp.dot(xd_ref[...], vd,
                          preferred_element_type=jnp.float32).reshape(N_DST)


def _edge_kernel(src_hbm, dst_hbm, asrc_hbm, adst_hbm, wout_hbm,
                 asrc_v, adst_v, src_v, dst_v, ex_v, denom_v, w_v,
                 slice_v, acc_v, part_sh, total_sh, sem_t, sem0, sem1):
    cid = lax.axis_index("c")
    sid = lax.axis_index("s")

    half = E_PER_TILE // 2
    base = sid * E_PER_TILE
    cps_t = [pltpu.async_copy(asrc_hbm, asrc_v, sem_t),
             pltpu.async_copy(adst_hbm, adst_v, sem_t)]
    cps_chunk = []
    for k, sem_k in ((0, sem0), (1, sem1)):
        cps_chunk.append([
            pltpu.async_copy(src_hbm.at[pl.ds(base + k * half, half)],
                             src_v.at[pl.ds(k * half, half)], sem_k),
            pltpu.async_copy(dst_hbm.at[pl.ds(base + k * half, half)],
                             dst_v.at[pl.ds(k * half, half)], sem_k),
        ])

    zero16 = jnp.zeros((L,), jnp.float32)

    @plsc.parallel_loop(0, NPAD, step=L, unroll=8)
    def _(j):
        denom_v[pl.ds(j, L)] = zero16
        w_v[pl.ds(j, L)] = zero16

    for cp in cps_t:
        cp.wait()

    for k in range(2):
        for cp in cps_chunk[k]:
            cp.wait()

        @plsc.parallel_loop(k * half, (k + 1) * half, step=L, unroll=8)
        def _(i):
            sl = pl.ds(i, L)
            sidx = src_v[sl]
            didx = dst_v[sl]
            t = (plsc.load_gather(asrc_v, [sidx])
                 + plsc.load_gather(adst_v, [didx]))
            al = jnp.maximum(t, NEG_SLOPE * t)
            ex = jnp.exp(al)
            ex_v[sl] = ex
            plsc.addupdate_scatter(denom_v, [didx], ex)

    pltpu.sync_copy(denom_v, part_sh.at[sid])
    plsc.subcore_barrier()
    pltpu.sync_copy(part_sh.at[:, pl.ds(sid * SLICE, SLICE)], slice_v)

    @plsc.parallel_loop(0, SLICE, step=L, unroll=4)
    def _(j):
        col = pl.ds(j, L)
        acc = slice_v[0, col]
        for r in range(1, NS):
            acc = acc + slice_v[r, col]
        acc_v[col] = 1.0 / (acc + 1e-16)

    pltpu.sync_copy(acc_v, total_sh.at[pl.ds(sid * SLICE, SLICE)])
    plsc.subcore_barrier()
    pltpu.sync_copy(total_sh, denom_v)

    off = cid * E_PER_WORKER

    @plsc.parallel_loop(0, E_PER_WORKER, step=L, unroll=8)
    def _(i):
        sl = pl.ds(off + i, L)
        sidx = src_v[sl]
        didx = dst_v[sl]
        inv = plsc.load_gather(denom_v, [didx])
        coef = ex_v[sl] * inv
        plsc.addupdate_scatter(w_v, [sidx], coef)

    wid = cid * NS + sid
    pltpu.sync_copy(w_v, wout_hbm.at[wid])


def _final_kernel(wp_ref, x_ref, w_ref, b_ref, o_ref):
    wsum = jnp.sum(wp_ref[...], axis=0, keepdims=True)
    u = jnp.dot(wsum[:, :N_SRC], x_ref[...],
                preferred_element_type=jnp.float32)
    z = jnp.dot(u, w_ref[...], preferred_element_type=jnp.float32)
    o_ref[...] = jnp.maximum(z * (1.0 / N_DST) + b_ref[...], 0.0)


def kernel(x_src, x_dst, edge_index, W_src, W_dst, att_src, att_dst, bias):
    a2_src, a2_dst = pl.pallas_call(
        _proj_kernel,
        out_shape=[jax.ShapeDtypeStruct((N_SRC,), jnp.float32),
                   jax.ShapeDtypeStruct((N_DST,), jnp.float32)],
    )(x_src, x_dst, W_src, W_dst,
      att_src.reshape(D, 1), att_dst.reshape(D, 1))

    edge_kernel = pl.kernel(
        _edge_kernel,
        out_type=jax.ShapeDtypeStruct((NC * NS, NPAD), jnp.float32),
        mesh=plsc.VectorSubcoreMesh(core_axis_name="c", subcore_axis_name="s"),
        compiler_params=pltpu.CompilerParams(needs_layout_passes=False),
        scratch_types=[
            pltpu.VMEM((N_SRC,), jnp.float32),
            pltpu.VMEM((N_DST,), jnp.float32),
            pltpu.VMEM((E_PER_TILE,), jnp.int32),
            pltpu.VMEM((E_PER_TILE,), jnp.int32),
            pltpu.VMEM((E_PER_TILE,), jnp.float32),
            pltpu.VMEM((NPAD,), jnp.float32),
            pltpu.VMEM((NPAD,), jnp.float32),
            pltpu.VMEM((NS, SLICE), jnp.float32),
            pltpu.VMEM((SLICE,), jnp.float32),
            pltpu.VMEM_SHARED((NS, NPAD), jnp.float32),
            pltpu.VMEM_SHARED((NPAD,), jnp.float32),
            pltpu.SemaphoreType.DMA,
            pltpu.SemaphoreType.DMA,
            pltpu.SemaphoreType.DMA,
        ],
    )
    w_p = edge_kernel(edge_index[0], edge_index[1], a2_src, a2_dst)

    out2 = pl.pallas_call(
        _final_kernel,
        out_shape=jax.ShapeDtypeStruct((1, HID), jnp.float32),
    )(w_p, x_src, W_src, bias.reshape(1, HID))
    return out2.reshape(HID)

# --- scband reference (transcript-rebuilt; emitter-appended) ---
"""Pipeline reference for scband-multi-gnnencoder-85461259256119 (READ-ONLY COPY).

The authoritative reference and input builder live on the scoring server;
editing this copy changes nothing except your own understanding.
"""

import jax, jax.numpy as jnp
import numpy as np

N_SRC = 10000
N_DST = 10000
E = 320000
D = 128
HID = 128
NEG_SLOPE = 0.2


def setup_inputs(seed: int = 0) -> dict:
    key = jax.random.key(seed)
    ks = jax.random.split(key, 8)
    x_src = jax.random.normal(ks[0], (N_SRC, D), dtype=jnp.float32)
    x_dst = jax.random.normal(ks[1], (N_DST, D), dtype=jnp.float32)
    edge_index = jax.random.randint(ks[2], (2, E), 0, N_DST, dtype=jnp.int32)
    # GATConv((-1,-1), HID) bipartite parameters (heads=1, concat=True)
    W_src = jax.random.normal(ks[3], (D, HID), dtype=jnp.float32) * (1.0 / np.sqrt(D))
    W_dst = jax.random.normal(ks[4], (D, HID), dtype=jnp.float32) * (1.0 / np.sqrt(D))
    att_src = jax.random.normal(ks[5], (HID,), dtype=jnp.float32) * 0.1
    att_dst = jax.random.normal(ks[6], (HID,), dtype=jnp.float32) * 0.1
    bias = jnp.zeros((HID,), dtype=jnp.float32)
    return {"x_src": x_src, "x_dst": x_dst, "edge_index": edge_index,
            "W_src": W_src, "W_dst": W_dst, "att_src": att_src,
            "att_dst": att_dst, "bias": bias}


def _gat_bipartite(x_src, x_dst, src, dst, W_src, W_dst, att_src, att_dst, bias):
    # h = W x (separate projections for src/dst node sets, PyG bipartite GATConv)
    h_src = x_src @ W_src                      # [N_SRC, HID]
    h_dst = x_dst @ W_dst                      # [N_DST, HID]
    a_src = (h_src * att_src).sum(-1)          # [N_SRC]
    a_dst = (h_dst * att_dst).sum(-1)          # [N_DST]
    alpha = a_src[src] + a_dst[dst]            # [E] gather
    alpha = jax.nn.leaky_relu(alpha, NEG_SLOPE)
    # softmax over incoming edges of each dst node
    amax = jax.ops.segment_max(alpha, dst, num_segments=N_DST)
    amax = jnp.where(jnp.isfinite(amax), amax, 0.0)
    ex = jnp.exp(alpha - amax[dst])
    denom = jax.ops.segment_sum(ex, dst, num_segments=N_DST)
    coef = ex / (denom[dst] + 1e-16)
    msg = h_src[src] * coef[:, None]           # [E, HID] gather + scale
    out = jax.ops.segment_sum(msg, dst, num_segments=N_DST)  # scatter-add
    return out + bias


def reference(x_src, x_dst, edge_index, W_src, W_dst, att_src, att_dst, bias):
    src = edge_index[0]
    dst = edge_index[1]
    # HeteroConv with single edge type ('artwork', rel, 'style'); output for 'style'
    features = _gat_bipartite(x_src, x_dst, src, dst, W_src, W_dst, att_src, att_dst, bias)
    # compute_mean=True -> mean over node dim
    features = features.mean(axis=0)
    # activation 'relu'
    return jax.nn.relu(features)

if __name__ == "__main__":
    import jax
    _d = setup_inputs()
    print(jax.jit(kernel)(*tuple(_d.values())))

</pallas_src>

<mosaic_0001>
#map = affine_map<(d0, d1) -> (0)>
#map1 = affine_map<(d0, d1) -> (0, 0)>
module attributes {stable_mosaic.version = 14 : i64} {
  func.func @_edge_kernel(%arg0: i32, %arg1: i32, %arg2: memref<320000xi32, #tpu.memory_space<hbm>>, %arg3: memref<320000xi32, #tpu.memory_space<hbm>>, %arg4: memref<10000xf32, #tpu.memory_space<hbm>>, %arg5: memref<10000xf32, #tpu.memory_space<hbm>>, %arg6: memref<32x10240xf32, #tpu.memory_space<hbm>>, %arg7: memref<10000xf32, #tpu.memory_space<vmem>>, %arg8: memref<10000xf32, #tpu.memory_space<vmem>>, %arg9: memref<20000xi32, #tpu.memory_space<vmem>>, %arg10: memref<20000xi32, #tpu.memory_space<vmem>>, %arg11: memref<20000xf32, #tpu.memory_space<vmem>>, %arg12: memref<10240xf32, #tpu.memory_space<vmem>>, %arg13: memref<10240xf32, #tpu.memory_space<vmem>>, %arg14: memref<16x640xf32, #tpu.memory_space<vmem>>, %arg15: memref<640xf32, #tpu.memory_space<vmem>>, %arg16: memref<16x10240xf32, #tpu.memory_space<vmem_shared>>, %arg17: memref<10240xf32, #tpu.memory_space<vmem_shared>>, %arg18: memref<!tpu.dma_semaphore, #tpu.memory_space<semaphore_mem>>, %arg19: memref<!tpu.dma_semaphore, #tpu.memory_space<semaphore_mem>>, %arg20: memref<!tpu.dma_semaphore, #tpu.memory_space<semaphore_mem>>) attributes {dimension_semantics = [#tpu.dimension_semantics<core_parallel>, #tpu.dimension_semantics<subcore_parallel>], iteration_bounds = array<i64: 2, 16>, scalar_prefetch = 0 : i64, scratch_operands = 14 : i64, tpu.core_type = #tpu.core_type<sc_vector_subcore>, window_params = [{transform_indices = #map}, {transform_indices = #map}, {transform_indices = #map}, {transform_indices = #map}, {transform_indices = #map1}]} {
    %mul3A = arith.constant 20000 : i32
    %mul3A_0 = arith.muli %arg1, %mul3A : i32
    tpu.enqueue_dma source(%arg4 : memref<10000xf32, #tpu.memory_space<hbm>>) target(%arg7 : memref<10000xf32, #tpu.memory_space<vmem>>) target_semaphore(%arg18 : memref<!tpu.dma_semaphore, #tpu.memory_space<semaphore_mem>>)
    tpu.enqueue_dma source(%arg5 : memref<10000xf32, #tpu.memory_space<hbm>>) target(%arg8 : memref<10000xf32, #tpu.memory_space<vmem>>) target_semaphore(%arg18 : memref<!tpu.dma_semaphore, #tpu.memory_space<semaphore_mem>>)
    %add3A = arith.constant 0 : i32
    %add3A_1 = arith.addi %mul3A_0, %add3A : i32
    %dma_start3A = arith.constant 0 : i32
    %dma_start3A_2 = tpu.memref_slice %arg9[%dma_start3A] : memref<20000xi32, #tpu.memory_space<vmem>> -> memref<10000xi32, #tpu.memory_space<vmem>>
    %dma_start3A_3 = tpu.memref_slice %arg2[%add3A_1] : memref<320000xi32, #tpu.memory_space<hbm>> -> memref<10000xi32, #tpu.memory_space<hbm>>
    %dma_start3A_4 = arith.constant 0 : i32
    %dma_start3A_5 = tpu.memref_slice %arg9[%dma_start3A_4] : memref<20000xi32, #tpu.memory_space<vmem>> -> memref<10000xi32, #tpu.memory_space<vmem>>
    %dma_start3A_6 = tpu.memref_slice %arg2[%add3A_1] : memref<320000xi32, #tpu.memory_space<hbm>> -> memref<10000xi32, #tpu.memory_space<hbm>>
    tpu.enqueue_dma source(%dma_start3A_6 : memref<10000xi32, #tpu.memory_space<hbm>>) target(%dma_start3A_5 : memref<10000xi32, #tpu.memory_space<vmem>>) target_semaphore(%arg19 : memref<!tpu.dma_semaphore, #tpu.memory_space<semaphore_mem>>)
    %add3A_7 = arith.constant 0 : i32
    %add3A_8 = arith.addi %mul3A_0, %add3A_7 : i32
    %dma_start3A_9 = arith.constant 0 : i32
    %dma_start3A_10 = tpu.memref_slice %arg10[%dma_start3A_9] : memref<20000xi32, #tpu.memory_space<vmem>> -> memref<10000xi32, #tpu.memory_space<vmem>>
    %dma_start3A_11 = tpu.memref_slice %arg3[%add3A_8] : memref<320000xi32, #tpu.memory_space<hbm>> -> memref<10000xi32, #tpu.memory_space<hbm>>
    %dma_start3A_12 = arith.constant 0 : i32
    %dma_start3A_13 = tpu.memref_slice %arg10[%dma_start3A_12] : memref<20000xi32, #tpu.memory_space<vmem>> -> memref<10000xi32, #tpu.memory_space<vmem>>
    %dma_start3A_14 = tpu.memref_slice %arg3[%add3A_8] : memref<320000xi32, #tpu.memory_space<hbm>> -> memref<10000xi32, #tpu.memory_space<hbm>>
    tpu.enqueue_dma source(%dma_start3A_14 : memref<10000xi32, #tpu.memory_space<hbm>>) target(%dma_start3A_13 : memref<10000xi32, #tpu.memory_space<vmem>>) target_semaphore(%arg19 : memref<!tpu.dma_semaphore, #tpu.memory_space<semaphore_mem>>)
    %add3A_15 = arith.constant 10000 : i32
    %add3A_16 = arith.addi %mul3A_0, %add3A_15 : i32
    %dma_start3A_17 = arith.constant 10000 : i32
    %dma_start3A_18 = tpu.memref_slice %arg9[%dma_start3A_17] : memref<20000xi32, #tpu.memory_space<vmem>> -> memref<10000xi32, #tpu.memory_space<vmem>>
    %dma_start3A_19 = tpu.memref_slice %arg2[%add3A_16] : memref<320000xi32, #tpu.memory_space<hbm>> -> memref<10000xi32, #tpu.memory_space<hbm>>
    %dma_start3A_20 = arith.constant 10000 : i32
    %dma_start3A_21 = tpu.memref_slice %arg9[%dma_start3A_20] : memref<20000xi32, #tpu.memory_space<vmem>> -> memref<10000xi32, #tpu.memory_space<vmem>>
    %dma_start3A_22 = tpu.memref_slice %arg2[%add3A_16] : memref<320000xi32, #tpu.memory_space<hbm>> -> memref<10000xi32, #tpu.memory_space<hbm>>
    tpu.enqueue_dma source(%dma_start3A_22 : memref<10000xi32, #tpu.memory_space<hbm>>) target(%dma_start3A_21 : memref<10000xi32, #tpu.memory_space<vmem>>) target_semaphore(%arg20 : memref<!tpu.dma_semaphore, #tpu.memory_space<semaphore_mem>>)
    %add3A_23 = arith.constant 10000 : i32
    %add3A_24 = arith.addi %mul3A_0, %add3A_23 : i32
    %dma_start3A_25 = arith.constant 10000 : i32
    %dma_start3A_26 = tpu.memref_slice %arg10[%dma_start3A_25] : memref<20000xi32, #tpu.memory_space<vmem>> -> memref<10000xi32, #tpu.memory_space<vmem>>
    %dma_start3A_27 = tpu.memref_slice %arg3[%add3A_24] : memref<320000xi32, #tpu.memory_space<hbm>> -> memref<10000xi32, #tpu.memory_space<hbm>>
    %dma_start3A_28 = arith.constant 10000 : i32
    %dma_start3A_29 = tpu.memref_slice %arg10[%dma_start3A_28] : memref<20000xi32, #tpu.memory_space<vmem>> -> memref<10000xi32, #tpu.memory_space<vmem>>
    %dma_start3A_30 = tpu.memref_slice %arg3[%add3A_24] : memref<320000xi32, #tpu.memory_space<hbm>> -> memref<10000xi32, #tpu.memory_space<hbm>>
    tpu.enqueue_dma source(%dma_start3A_30 : memref<10000xi32, #tpu.memory_space<hbm>>) target(%dma_start3A_29 : memref<10000xi32, #tpu.memory_space<vmem>>) target_semaphore(%arg20 : memref<!tpu.dma_semaphore, #tpu.memory_space<semaphore_mem>>)
    %broadcast_in_dim3A = arith.constant 0.000000e+00 : f32
    %broadcast_in_dim3A_31 = vector.broadcast %broadcast_in_dim3A : f32 to vector<16xf32>
    %parallel_loop3A = arith.constant 0 : i32
    %parallel_loop3A_32 = arith.constant 10240 : i32
    %parallel_loop3A_33 = arith.constant 16 : i32
    scf.for %parallel_loop3A_79 = %parallel_loop3A to %parallel_loop3A_32 step %parallel_loop3A_33  : i32 {
      %parallel_loop3A_80 = arith.index_cast %parallel_loop3A_79 : i32 to index
      %parallel_loop3A_81 = tpu.vector_load %arg12[%parallel_loop3A_80] {strides = array<i32>} : memref<10240xf32, #tpu.memory_space<vmem>>, vector<16xf32>,
      tpu.vector_store %arg12[%parallel_loop3A_80], %broadcast_in_dim3A_31 {strides = array<i32>} : memref<10240xf32, #tpu.memory_space<vmem>>, vector<16xf32>,
      %parallel_loop3A_82 = arith.index_cast %parallel_loop3A_79 : i32 to index
      %parallel_loop3A_83 = tpu.vector_load %arg13[%parallel_loop3A_82] {strides = array<i32>} : memref<10240xf32, #tpu.memory_space<vmem>>, vector<16xf32>,
      tpu.vector_store %arg13[%parallel_loop3A_82], %broadcast_in_dim3A_31 {strides = array<i32>} : memref<10240xf32, #tpu.memory_space<vmem>>, vector<16xf32>,
    } {sc.loop_unroll_factor = 8 : i64, sc.parallel_access}
    tpu.wait_dma2 semaphore(%arg18 : memref<!tpu.dma_semaphore, #tpu.memory_space<semaphore_mem>>) src(%arg4 : memref<10000xf32, #tpu.memory_space<hbm>>) dst(%arg7 : memref<10000xf32, #tpu.memory_space<vmem>>)
    tpu.wait_dma2 semaphore(%arg18 : memref<!tpu.dma_semaphore, #tpu.memory_space<semaphore_mem>>) src(%arg5 : memref<10000xf32, #tpu.memory_space<hbm>>) dst(%arg8 : memref<10000xf32, #tpu.memory_space<vmem>>)
    %dma_wait3A = arith.constant 0 : i32
    %dma_wait3A_34 = tpu.memref_slice %arg9[%dma_wait3A] : memref<20000xi32, #tpu.memory_space<vmem>> -> memref<10000xi32, #tpu.memory_space<vmem>>
    %dma_wait3A_35 = tpu.memref_slice %arg2[%add3A_1] : memref<320000xi32, #tpu.memory_space<hbm>> -> memref<10000xi32, #tpu.memory_space<hbm>>
    %dma_wait3A_36 = arith.constant 0 : i32
    %dma_wait3A_37 = tpu.memref_slice %arg9[%dma_wait3A_36] : memref<20000xi32, #tpu.memory_space<vmem>> -> memref<10000xi32, #tpu.memory_space<vmem>>
    %dma_wait3A_38 = tpu.memref_slice %arg2[%add3A_1] : memref<320000xi32, #tpu.memory_space<hbm>> -> memref<10000xi32, #tpu.memory_space<hbm>>
    tpu.wait_dma2 semaphore(%arg19 : memref<!tpu.dma_semaphore, #tpu.memory_space<semaphore_mem>>) src(%dma_wait3A_38 : memref<10000xi32, #tpu.memory_space<hbm>>) dst(%dma_wait3A_37 : memref<10000xi32, #tpu.memory_space<vmem>>)
    %dma_wait3A_39 = arith.constant 0 : i32
    %dma_wait3A_40 = tpu.memref_slice %arg10[%dma_wait3A_39] : memref<20000xi32, #tpu.memory_space<vmem>> -> memref<10000xi32, #tpu.memory_space<vmem>>
    %dma_wait3A_41 = tpu.memref_slice %arg3[%add3A_8] : memref<320000xi32, #tpu.memory_space<hbm>> -> memref<10000xi32, #tpu.memory_space<hbm>>
    %dma_wait3A_42 = arith.constant 0 : i32
    %dma_wait3A_43 = tpu.memref_slice %arg10[%dma_wait3A_42] : memref<20000xi32, #tpu.memory_space<vmem>> -> memref<10000xi32, #tpu.memory_space<vmem>>
    %dma_wait3A_44 = tpu.memref_slice %arg3[%add3A_8] : memref<320000xi32, #tpu.memory_space<hbm>> -> memref<10000xi32, #tpu.memory_space<hbm>>
    tpu.wait_dma2 semaphore(%arg19 : memref<!tpu.dma_semaphore, #tpu.memory_space<semaphore_mem>>) src(%dma_wait3A_44 : memref<10000xi32, #tpu.memory_space<hbm>>) dst(%dma_wait3A_43 : memref<10000xi32, #tpu.memory_space<vmem>>)
    %parallel_loop3A_45 = arith.constant 0 : i32
    %parallel_loop3A_46 = arith.constant 10000 : i32
    %parallel_loop3A_47 = arith.constant 16 : i32
    scf.for %parallel_loop3A_79 = %parallel_loop3A_45 to %parallel_loop3A_46 step %parallel_loop3A_47  : i32 {
      %parallel_loop3A_80 = arith.index_cast %parallel_loop3A_79 : i32 to index
      %parallel_loop3A_81 = tpu.vector_load %arg9[%parallel_loop3A_80] {strides = array<i32>} : memref<20000xi32, #tpu.memory_space<vmem>>, vector<16xi32>,
      %parallel_loop3A_82 = arith.index_cast %parallel_loop3A_79 : i32 to index
      %parallel_loop3A_83 = tpu.vector_load %arg10[%parallel_loop3A_82] {strides = array<i32>} : memref<20000xi32, #tpu.memory_space<vmem>>, vector<16xi32>,
      %parallel_loop3A_84 = tpu.vector_load_idx %arg7[%parallel_loop3A_81] : memref<10000xf32, #tpu.memory_space<vmem>>[vector<16xi32>], vector<16xf32>,
      %parallel_loop3A_85 = tpu.vector_load_idx %arg8[%parallel_loop3A_83] : memref<10000xf32, #tpu.memory_space<vmem>>[vector<16xi32>], vector<16xf32>,
      %parallel_loop3A_86 = arith.addf %parallel_loop3A_84, %parallel_loop3A_85 : vector<16xf32>
      %parallel_loop3A_87 = arith.constant 2.000000e-01 : f32
      %parallel_loop3A_88 = vector.broadcast %parallel_loop3A_87 : f32 to vector<16xf32>
      %parallel_loop3A_89 = arith.mulf %parallel_loop3A_88, %parallel_loop3A_86 : vector<16xf32>
      %parallel_loop3A_90 = arith.maximumf %parallel_loop3A_86, %parallel_loop3A_89 : vector<16xf32>
      %parallel_loop3A_91 = math.exp %parallel_loop3A_90 : vector<16xf32>
      %parallel_loop3A_92 = arith.index_cast %parallel_loop3A_79 : i32 to index
      %parallel_loop3A_93 = tpu.vector_load %arg11[%parallel_loop3A_92] {strides = array<i32>} : memref<20000xf32, #tpu.memory_space<vmem>>, vector<16xf32>,
      tpu.vector_store %arg11[%parallel_loop3A_92], %parallel_loop3A_91 {strides = array<i32>} : memref<20000xf32, #tpu.memory_space<vmem>>, vector<16xf32>,
      tpu.vector_store_idx %arg12[%parallel_loop3A_83], %parallel_loop3A_91 {add = true} : memref<10240xf32, #tpu.memory_space<vmem>>[vector<16xi32>], vector<16xf32>,
    } {sc.loop_unroll_factor = 8 : i64, sc.parallel_access}
    %dma_wait3A_48 = arith.constant 10000 : i32
    %dma_wait3A_49 = tpu.memref_slice %arg9[%dma_wait3A_48] : memref<20000xi32, #tpu.memory_space<vmem>> -> memref<10000xi32, #tpu.memory_space<vmem>>
    %dma_wait3A_50 = tpu.memref_slice %arg2[%add3A_16] : memref<320000xi32, #tpu.memory_space<hbm>> -> memref<10000xi32, #tpu.memory_space<hbm>>
    %dma_wait3A_51 = arith.constant 10000 : i32
    %dma_wait3A_52 = tpu.memref_slice %arg9[%dma_wait3A_51] : memref<20000xi32, #tpu.memory_space<vmem>> -> memref<10000xi32, #tpu.memory_space<vmem>>
    %dma_wait3A_53 = tpu.memref_slice %arg2[%add3A_16] : memref<320000xi32, #tpu.memory_space<hbm>> -> memref<10000xi32, #tpu.memory_space<hbm>>
    tpu.wait_dma2 semaphore(%arg20 : memref<!tpu.dma_semaphore, #tpu.memory_space<semaphore_mem>>) src(%dma_wait3A_53 : memref<10000xi32, #tpu.memory_space<hbm>>) dst(%dma_wait3A_52 : memref<10000xi32, #tpu.memory_space<vmem>>)
    %dma_wait3A_54 = arith.constant 10000 : i32
    %dma_wait3A_55 = tpu.memref_slice %arg10[%dma_wait3A_54] : memref<20000xi32, #tpu.memory_space<vmem>> -> memref<10000xi32, #tpu.memory_space<vmem>>
    %dma_wait3A_56 = tpu.memref_slice %arg3[%add3A_24] : memref<320000xi32, #tpu.memory_space<hbm>> -> memref<10000xi32, #tpu.memory_space<hbm>>
    %dma_wait3A_57 = arith.constant 10000 : i32
    %dma_wait3A_58 = tpu.memref_slice %arg10[%dma_wait3A_57] : memref<20000xi32, #tpu.memory_space<vmem>> -> memref<10000xi32, #tpu.memory_space<vmem>>
    %dma_wait3A_59 = tpu.memref_slice %arg3[%add3A_24] : memref<320000xi32, #tpu.memory_space<hbm>> -> memref<10000xi32, #tpu.memory_space<hbm>>
    tpu.wait_dma2 semaphore(%arg20 : memref<!tpu.dma_semaphore, #tpu.memory_space<semaphore_mem>>) src(%dma_wait3A_59 : memref<10000xi32, #tpu.memory_space<hbm>>) dst(%dma_wait3A_58 : memref<10000xi32, #tpu.memory_space<vmem>>)
    %parallel_loop3A_60 = arith.constant 10000 : i32
    %parallel_loop3A_61 = arith.constant 20000 : i32
    %parallel_loop3A_62 = arith.constant 16 : i32
    scf.for %parallel_loop3A_79 = %parallel_loop3A_60 to %parallel_loop3A_61 step %parallel_loop3A_62  : i32 {
      %parallel_loop3A_80 = arith.index_cast %parallel_loop3A_79 : i32 to index
      %parallel_loop3A_81 = tpu.vector_load %arg9[%parallel_loop3A_80] {strides = array<i32>} : memref<20000xi32, #tpu.memory_space<vmem>>, vector<16xi32>,
      %parallel_loop3A_82 = arith.index_cast %parallel_loop3A_79 : i32 to index
      %parallel_loop3A_83 = tpu.vector_load %arg10[%parallel_loop3A_82] {strides = array<i32>} : memref<20000xi32, #tpu.memory_space<vmem>>, vector<16xi32>,
      %parallel_loop3A_84 = tpu.vector_load_idx %arg7[%parallel_loop3A_81] : memref<10000xf32, #tpu.memory_space<vmem>>[vector<16xi32>], vector<16xf32>,
      %parallel_loop3A_85 = tpu.vector_load_idx %arg8[%parallel_loop3A_83] : memref<10000xf32, #tpu.memory_space<vmem>>[vector<16xi32>], vector<16xf32>,
      %parallel_loop3A_86 = arith.addf %parallel_loop3A_84, %parallel_loop3A_85 : vector<16xf32>
      %parallel_loop3A_87 = arith.constant 2.000000e-01 : f32
      %parallel_loop3A_88 = vector.broadcast %parallel_loop3A_87 : f32 to vector<16xf32>
      %parallel_loop3A_89 = arith.mulf %parallel_loop3A_88, %parallel_loop3A_86 : vector<16xf32>
      %parallel_loop3A_90 = arith.maximumf %parallel_loop3A_86, %parallel_loop3A_89 : vector<16xf32>
      %parallel_loop3A_91 = math.exp %parallel_loop3A_90 : vector<16xf32>
      %parallel_loop3A_92 = arith.index_cast %parallel_loop3A_79 : i32 to index
      %parallel_loop3A_93 = tpu.vector_load %arg11[%parallel_loop3A_92] {strides = array<i32>} : memref<20000xf32, #tpu.memory_space<vmem>>, vector<16xf32>,
      tpu.vector_store %arg11[%parallel_loop3A_92], %parallel_loop3A_91 {strides = array<i32>} : memref<20000xf32, #tpu.memory_space<vmem>>, vector<16xf32>,
      tpu.vector_store_idx %arg12[%parallel_loop3A_83], %parallel_loop3A_91 {add = true} : memref<10240xf32, #tpu.memory_space<vmem>>[vector<16xi32>], vector<16xf32>,
    } {sc.loop_unroll_factor = 8 : i64, sc.parallel_access}
    "tpu.region"() ({
      %run_scoped3A = tpu.sem_alloc : memref<!tpu.dma_semaphore, #tpu.memory_space<semaphore_mem>>
      %dma_start3A_79 = arith.constant 0 : i32
      %dma_start3A_80 = tpu.memref_slice %arg16[%arg1, %dma_start3A_79] : memref<16x10240xf32, #tpu.memory_space<vmem_shared>> -> memref<1x10240xf32, #tpu.memory_space<vmem_shared>>
      %dma_start3A_81 = tpu.memref_squeeze %dma_start3A_80 : memref<1x10240xf32, #tpu.memory_space<vmem_shared>> -> memref<10240xf32, #tpu.memory_space<vmem_shared>>
      %dma_start3A_82 = arith.constant 0 : i32
      %dma_start3A_83 = tpu.memref_slice %arg16[%arg1, %dma_start3A_82] : memref<16x10240xf32, #tpu.memory_space<vmem_shared>> -> memref<1x10240xf32, #tpu.memory_space<vmem_shared>>
      %dma_start3A_84 = tpu.memref_squeeze %dma_start3A_83 : memref<1x10240xf32, #tpu.memory_space<vmem_shared>> -> memref<10240xf32, #tpu.memory_space<vmem_shared>>
      tpu.enqueue_dma source(%arg12 : memref<10240xf32, #tpu.memory_space<vmem>>) target(%dma_start3A_84 : memref<10240xf32, #tpu.memory_space<vmem_shared>>) target_semaphore(%run_scoped3A : memref<!tpu.dma_semaphore, #tpu.memory_space<semaphore_mem>>)
      %dma_wait3A_85 = arith.constant 0 : i32
      %dma_wait3A_86 = tpu.memref_slice %arg16[%arg1, %dma_wait3A_85] : memref<16x10240xf32, #tpu.memory_space<vmem_shared>> -> memref<1x10240xf32, #tpu.memory_space<vmem_shared>>
      %dma_wait3A_87 = tpu.memref_squeeze %dma_wait3A_86 : memref<1x10240xf32, #tpu.memory_space<vmem_shared>> -> memref<10240xf32, #tpu.memory_space<vmem_shared>>
      %dma_wait3A_88 = arith.constant 0 : i32
      %dma_wait3A_89 = tpu.memref_slice %arg16[%arg1, %dma_wait3A_88] : memref<16x10240xf32, #tpu.memory_space<vmem_shared>> -> memref<1x10240xf32, #tpu.memory_space<vmem_shared>>
      %dma_wait3A_90 = tpu.memref_squeeze %dma_wait3A_89 : memref<1x10240xf32, #tpu.memory_space<vmem_shared>> -> memref<10240xf32, #tpu.memory_space<vmem_shared>>
      tpu.wait_dma2 semaphore(%run_scoped3A : memref<!tpu.dma_semaphore, #tpu.memory_space<semaphore_mem>>) src(%arg12 : memref<10240xf32, #tpu.memory_space<vmem>>) dst(%dma_wait3A_90 : memref<10240xf32, #tpu.memory_space<vmem_shared>>)
      tpu.yield
    }) : () -> ()
    %barrier3A = arith.constant 0 : index
    tpu.barrier barrier_id(%barrier3A)
    %mul3A_63 = arith.constant 640 : i32
    %mul3A_64 = arith.muli %arg1, %mul3A_63 : i32
    "tpu.region"() ({
      %run_scoped3A = tpu.sem_alloc : memref<!tpu.dma_semaphore, #tpu.memory_space<semaphore_mem>>
      %dma_start3A_79 = arith.constant 0 : i32
      %dma_start3A_80 = tpu.memref_slice %arg16[%dma_start3A_79, %mul3A_64] : memref<16x10240xf32, #tpu.memory_space<vmem_shared>> -> memref<16x640xf32, #tpu.memory_space<vmem_shared>>
      %dma_start3A_81 = arith.constant 0 : i32
      %dma_start3A_82 = tpu.memref_slice %arg16[%dma_start3A_81, %mul3A_64] : memref<16x10240xf32, #tpu.memory_space<vmem_shared>> -> memref<16x640xf32, #tpu.memory_space<vmem_shared>>
      tpu.enqueue_dma source(%dma_start3A_82 : memref<16x640xf32, #tpu.memory_space<vmem_shared>>) target(%arg14 : memref<16x640xf32, #tpu.memory_space<vmem>>) target_semaphore(%run_scoped3A : memref<!tpu.dma_semaphore, #tpu.memory_space<semaphore_mem>>)
      %dma_wait3A_83 = arith.constant 0 : i32
      %dma_wait3A_84 = tpu.memref_slice %arg16[%dma_wait3A_83, %mul3A_64] : memref<16x10240xf32, #tpu.memory_space<vmem_shared>> -> memref<16x640xf32, #tpu.memory_space<vmem_shared>>
      %dma_wait3A_85 = arith.constant 0 : i32
      %dma_wait3A_86 = tpu.memref_slice %arg16[%dma_wait3A_85, %mul3A_64] : memref<16x10240xf32, #tpu.memory_space<vmem_shared>> -> memref<16x640xf32, #tpu.memory_space<vmem_shared>>
      tpu.wait_dma2 semaphore(%run_scoped3A : memref<!tpu.dma_semaphore, #tpu.memory_space<semaphore_mem>>) src(%dma_wait3A_86 : memref<16x640xf32, #tpu.memory_space<vmem_shared>>) dst(%arg14 : memref<16x640xf32, #tpu.memory_space<vmem>>)
      tpu.yield
    }) : () -> ()
    %parallel_loop3A_65 = arith.constant 0 : i32
    %parallel_loop3A_66 = arith.constant 640 : i32
    %parallel_loop3A_67 = arith.constant 16 : i32
    scf.for %parallel_loop3A_79 = %parallel_loop3A_65 to %parallel_loop3A_66 step %parallel_loop3A_67  : i32 {
      %parallel_loop3A_80 = arith.constant 0 : i32
      %parallel_loop3A_81 = arith.index_cast %parallel_loop3A_80 : i32 to index
      %parallel_loop3A_82 = arith.index_cast %parallel_loop3A_79 : i32 to index
      %parallel_loop3A_83 = tpu.vector_load %arg14[%parallel_loop3A_81, %parallel_loop3A_82] {strides = array<i32>} : memref<16x640xf32, #tpu.memory_space<vmem>>, vector<16xf32>,
      %parallel_loop3A_84 = arith.constant 1 : i32
      %parallel_loop3A_85 = arith.index_cast %parallel_loop3A_84 : i32 to index
      %parallel_loop3A_86 = arith.index_cast %parallel_loop3A_79 : i32 to index
      %parallel_loop3A_87 = tpu.vector_load %arg14[%parallel_loop3A_85, %parallel_loop3A_86] {strides = array<i32>} : memref<16x640xf32, #tpu.memory_space<vmem>>, vector<16xf32>,
      %parallel_loop3A_88 = arith.addf %parallel_loop3A_83, %parallel_loop3A_87 : vector<16xf32>
      %parallel_loop3A_89 = arith.constant 2 : i32
      %parallel_loop3A_90 = arith.index_cast %parallel_loop3A_89 : i32 to index
      %parallel_loop3A_91 = arith.index_cast %parallel_loop3A_79 : i32 to index
      %parallel_loop3A_92 = tpu.vector_load %arg14[%parallel_loop3A_90, %parallel_loop3A_91] {strides = array<i32>} : memref<16x640xf32, #tpu.memory_space<vmem>>, vector<16xf32>,
      %parallel_loop3A_93 = arith.addf %parallel_loop3A_88, %parallel_loop3A_92 : vector<16xf32>
      %parallel_loop3A_94 = arith.constant 3 : i32
      %parallel_loop3A_95 = arith.index_cast %parallel_loop3A_94 : i32 to index
      %parallel_loop3A_96 = arith.index_cast %parallel_loop3A_79 : i32 to index
      %parallel_loop3A_97 = tpu.vector_load %arg14[%parallel_loop3A_95, %parallel_loop3A_96] {strides = array<i32>} : memref<16x640xf32, #tpu.memory_space<vmem>>, vector<16xf32>,
      %parallel_loop3A_98 = arith.addf %parallel_loop3A_93, %parallel_loop3A_97 : vector<16xf32>
      %parallel_loop3A_99 = arith.constant 4 : i32
      %parallel_loop3A_100 = arith.index_cast %parallel_loop3A_99 : i32 to index
      %parallel_loop3A_101 = arith.index_cast %parallel_loop3A_79 : i32 to index
      %parallel_loop3A_102 = tpu.vector_load %arg14[%parallel_loop3A_100, %parallel_loop3A_101] {strides = array<i32>} : memref<16x640xf32, #tpu.memory_space<vmem>>, vector<16xf32>,
      %parallel_loop3A_103 = arith.addf %parallel_loop3A_98, %parallel_loop3A_102 : vector<16xf32>
      %parallel_loop3A_104 = arith.constant 5 : i32
      %parallel_loop3A_105 = arith.index_cast %parallel_loop3A_104 : i32 to index
      %parallel_loop3A_106 = arith.index_cast %parallel_loop3A_79 : i32 to index
      %parallel_loop3A_107 = tpu.vector_load %arg14[%parallel_loop3A_105, %parallel_loop3A_106] {strides = array<i32>} : memref<16x640xf32, #tpu.memory_space<vmem>>, vector<16xf32>,
      %parallel_loop3A_108 = arith.addf %parallel_loop3A_103, %parallel_loop3A_107 : vector<16xf32>
      %parallel_loop3A_109 = arith.constant 6 : i32
      %parallel_loop3A_110 = arith.index_cast %parallel_loop3A_109 : i32 to index
      %parallel_loop3A_111 = arith.index_cast %parallel_loop3A_79 : i32 to index
      %parallel_loop3A_112 = tpu.vector_load %arg14[%parallel_loop3A_110, %parallel_loop3A_111] {strides = array<i32>} : memref<16x640xf32, #tpu.memory_space<vmem>>, vector<16xf32>,
      %parallel_loop3A_113 = arith.addf %parallel_loop3A_108, %parallel_loop3A_112 : vector<16xf32>
      %parallel_loop3A_114 = arith.constant 7 : i32
      %parallel_loop3A_115 = arith.index_cast %parallel_loop3A_114 : i32 to index
      %parallel_loop3A_116 = arith.index_cast %parallel_loop3A_79 : i32 to index
      %parallel_loop3A_117 = tpu.vector_load %arg14[%parallel_loop3A_115, %parallel_loop3A_116] {strides = array<i32>} : memref<16x640xf32, #tpu.memory_space<vmem>>, vector<16xf32>,
      %parallel_loop3A_118 = arith.addf %parallel_loop3A_113, %parallel_loop3A_117 : vector<16xf32>
      %parallel_loop3A_119 = arith.constant 8 : i32
      %parallel_loop3A_120 = arith.index_cast %parallel_loop3A_119 : i32 to index
      %parallel_loop3A_121 = arith.index_cast %parallel_loop3A_79 : i32 to index
      %parallel_loop3A_122 = tpu.vector_load %arg14[%parallel_loop3A_120, %parallel_loop3A_121] {strides = array<i32>} : memref<16x640xf32, #tpu.memory_space<vmem>>, vector<16xf32>,
      %parallel_loop3A_123 = arith.addf %parallel_loop3A_118, %parallel_loop3A_122 : vector<16xf32>
      %parallel_loop3A_124 = arith.constant 9 : i32
      %parallel_loop3A_125 = arith.index_cast %parallel_loop3A_124 : i32 to index
      %parallel_loop3A_126 = arith.index_cast %parallel_loop3A_79 : i32 to index
      %parallel_loop3A_127 = tpu.vector_load %arg14[%parallel_loop3A_125, %parallel_loop3A_126] {strides = array<i32>} : memref<16x640xf32, #tpu.memory_space<vmem>>, vector<16xf32>,
      %parallel_loop3A_128 = arith.addf %parallel_loop3A_123, %parallel_loop3A_127 : vector<16xf32>
      %parallel_loop3A_129 = arith.constant 10 : i32
      %parallel_loop3A_130 = arith.index_cast %parallel_loop3A_129 : i32 to index
      %parallel_loop3A_131 = arith.index_cast %parallel_loop3A_79 : i32 to index
      %parallel_loop3A_132 = tpu.vector_load %arg14[%parallel_loop3A_130, %parallel_loop3A_131] {strides = array<i32>} : memref<16x640xf32, #tpu.memory_space<vmem>>, vector<16xf32>,
      %parallel_loop3A_133 = arith.addf %parallel_loop3A_128, %parallel_loop3A_132 : vector<16xf32>
      %parallel_loop3A_134 = arith.constant 11 : i32
      %parallel_loop3A_135 = arith.index_cast %parallel_loop3A_134 : i32 to index
      %parallel_loop3A_136 = arith.index_cast %parallel_loop3A_79 : i32 to index
      %parallel_loop3A_137 = tpu.vector_load %arg14[%parallel_loop3A_135, %parallel_loop3A_136] {strides = array<i32>} : memref<16x640xf32, #tpu.memory_space<vmem>>, vector<16xf32>,
      %parallel_loop3A_138 = arith.addf %parallel_loop3A_133, %parallel_loop3A_137 : vector<16xf32>
      %parallel_loop3A_139 = arith.constant 12 : i32
      %parallel_loop3A_140 = arith.index_cast %parallel_loop3A_139 : i32 to index
      %parallel_loop3A_141 = arith.index_cast %parallel_loop3A_79 : i32 to index
      %parallel_loop3A_142 = tpu.vector_load %arg14[%parallel_loop3A_140, %parallel_loop3A_141] {strides = array<i32>} : memref<16x640xf32, #tpu.memory_space<vmem>>, vector<16xf32>,
      %parallel_loop3A_143 = arith.addf %parallel_loop3A_138, %parallel_loop3A_142 : vector<16xf32>
      %parallel_loop3A_144 = arith.constant 13 : i32
      %parallel_loop3A_145 = arith.index_cast %parallel_loop3A_144 : i32 to index
      %parallel_loop3A_146 = arith.index_cast %parallel_loop3A_79 : i32 to index
      %parallel_loop3A_147 = tpu.vector_load %arg14[%parallel_loop3A_145, %parallel_loop3A_146] {strides = array<i32>} : memref<16x640xf32, #tpu.memory_space<vmem>>, vector<16xf32>,
      %parallel_loop3A_148 = arith.addf %parallel_loop3A_143, %parallel_loop3A_147 : vector<16xf32>
      %parallel_loop3A_149 = arith.constant 14 : i32
      %parallel_loop3A_150 = arith.index_cast %parallel_loop3A_149 : i32 to index
      %parallel_loop3A_151 = arith.index_cast %parallel_loop3A_79 : i32 to index
      %parallel_loop3A_152 = tpu.vector_load %arg14[%parallel_loop3A_150, %parallel_loop3A_151] {strides = array<i32>} : memref<16x640xf32, #tpu.memory_space<vmem>>, vector<16xf32>,
      %parallel_loop3A_153 = arith.addf %parallel_loop3A_148, %parallel_loop3A_152 : vector<16xf32>
      %parallel_loop3A_154 = arith.constant 15 : i32
      %parallel_loop3A_155 = arith.index_cast %parallel_loop3A_154 : i32 to index
      %parallel_loop3A_156 = arith.index_cast %parallel_loop3A_79 : i32 to index
      %parallel_loop3A_157 = tpu.vector_load %arg14[%parallel_loop3A_155, %parallel_loop3A_156] {strides = array<i32>} : memref<16x640xf32, #tpu.memory_space<vmem>>, vector<16xf32>,
      %parallel_loop3A_158 = arith.addf %parallel_loop3A_153, %parallel_loop3A_157 : vector<16xf32>
      %parallel_loop3A_159 = arith.constant 1.000000e-16 : f32
      %parallel_loop3A_160 = vector.broadcast %parallel_loop3A_159 : f32 to vector<16xf32>
      %parallel_loop3A_161 = arith.addf %parallel_loop3A_158, %parallel_loop3A_160 : vector<16xf32>
      %parallel_loop3A_162 = arith.constant 1.000000e+00 : f32
      %parallel_loop3A_163 = vector.broadcast %parallel_loop3A_162 : f32 to vector<16xf32>
      %parallel_loop3A_164 = arith.divf %parallel_loop3A_163, %parallel_loop3A_161 : vector<16xf32>
      %parallel_loop3A_165 = arith.index_cast %parallel_loop3A_79 : i32 to index
      %parallel_loop3A_166 = tpu.vector_load %arg15[%parallel_loop3A_165] {strides = array<i32>} : memref<640xf32, #tpu.memory_space<vmem>>, vector<16xf32>,
      tpu.vector_store %arg15[%parallel_loop3A_165], %parallel_loop3A_164 {strides = array<i32>} : memref<640xf32, #tpu.memory_space<vmem>>, vector<16xf32>,
    } {sc.loop_unroll_factor = 4 : i64, sc.parallel_access}
    %mul3A_68 = arith.constant 640 : i32
    %mul3A_69 = arith.muli %arg1, %mul3A_68 : i32
    "tpu.region"() ({
      %run_scoped3A = tpu.sem_alloc : memref<!tpu.dma_semaphore, #tpu.memory_space<semaphore_mem>>
      %dma_start3A_79 = tpu.memref_slice %arg17[%mul3A_69] : memref<10240xf32, #tpu.memory_space<vmem_shared>> -> memref<640xf32, #tpu.memory_space<vmem_shared>>
      %dma_start3A_80 = tpu.memref_slice %arg17[%mul3A_69] : memref<10240xf32, #tpu.memory_space<vmem_shared>> -> memref<640xf32, #tpu.memory_space<vmem_shared>>
      tpu.enqueue_dma source(%arg15 : memref<640xf32, #tpu.memory_space<vmem>>) target(%dma_start3A_80 : memref<640xf32, #tpu.memory_space<vmem_shared>>) target_semaphore(%run_scoped3A : memref<!tpu.dma_semaphore, #tpu.memory_space<semaphore_mem>>)
      %dma_wait3A_81 = tpu.memref_slice %arg17[%mul3A_69] : memref<10240xf32, #tpu.memory_space<vmem_shared>> -> memref<640xf32, #tpu.memory_space<vmem_shared>>
      %dma_wait3A_82 = tpu.memref_slice %arg17[%mul3A_69] : memref<10240xf32, #tpu.memory_space<vmem_shared>> -> memref<640xf32, #tpu.memory_space<vmem_shared>>
      tpu.wait_dma2 semaphore(%run_scoped3A : memref<!tpu.dma_semaphore, #tpu.memory_space<semaphore_mem>>) src(%arg15 : memref<640xf32, #tpu.memory_space<vmem>>) dst(%dma_wait3A_82 : memref<640xf32, #tpu.memory_space<vmem_shared>>)
      tpu.yield
    }) : () -> ()
    %barrier3A_70 = arith.constant 0 : index
    tpu.barrier barrier_id(%barrier3A_70)
    "tpu.region"() ({
      %run_scoped3A = tpu.sem_alloc : memref<!tpu.dma_semaphore, #tpu.memory_space<semaphore_mem>>
      tpu.enqueue_dma source(%arg17 : memref<10240xf32, #tpu.memory_space<vmem_shared>>) target(%arg12 : memref<10240xf32, #tpu.memory_space<vmem>>) target_semaphore(%run_scoped3A : memref<!tpu.dma_semaphore, #tpu.memory_space<semaphore_mem>>)
      tpu.wait_dma2 semaphore(%run_scoped3A : memref<!tpu.dma_semaphore, #tpu.memory_space<semaphore_mem>>) src(%arg17 : memref<10240xf32, #tpu.memory_space<vmem_shared>>) dst(%arg12 : memref<10240xf32, #tpu.memory_space<vmem>>)
      tpu.yield
    }) : () -> ()
    %mul3A_71 = arith.constant 10000 : i32
    %mul3A_72 = arith.muli %arg0, %mul3A_71 : i32
    %parallel_loop3A_73 = arith.constant 0 : i32
    %parallel_loop3A_74 = arith.constant 10000 : i32
    %parallel_loop3A_75 = arith.constant 16 : i32
    scf.for %parallel_loop3A_79 = %parallel_loop3A_73 to %parallel_loop3A_74 step %parallel_loop3A_75  : i32 {
      %parallel_loop3A_80 = arith.addi %mul3A_72, %parallel_loop3A_79 : i32
      %parallel_loop3A_81 = arith.index_cast %parallel_loop3A_80 : i32 to index
      %parallel_loop3A_82 = tpu.vector_load %arg9[%parallel_loop3A_81] {strides = array<i32>} : memref<20000xi32, #tpu.memory_space<vmem>>, vector<16xi32>,
      %parallel_loop3A_83 = arith.index_cast %parallel_loop3A_80 : i32 to index
      %parallel_loop3A_84 = tpu.vector_load %arg10[%parallel_loop3A_83] {strides = array<i32>} : memref<20000xi32, #tpu.memory_space<vmem>>, vector<16xi32>,
      %parallel_loop3A_85 = tpu.vector_load_idx %arg12[%parallel_loop3A_84] : memref<10240xf32, #tpu.memory_space<vmem>>[vector<16xi32>], vector<16xf32>,
      %parallel_loop3A_86 = arith.index_cast %parallel_loop3A_80 : i32 to index
      %parallel_loop3A_87 = tpu.vector_load %arg11[%parallel_loop3A_86] {strides = array<i32>} : memref<20000xf32, #tpu.memory_space<vmem>>, vector<16xf32>,
      %parallel_loop3A_88 = arith.mulf %parallel_loop3A_87, %parallel_loop3A_85 : vector<16xf32>
      tpu.vector_store_idx %arg13[%parallel_loop3A_82], %parallel_loop3A_88 {add = true} : memref<10240xf32, #tpu.memory_space<vmem>>[vector<16xi32>], vector<16xf32>,
    } {sc.loop_unroll_factor = 8 : i64, sc.parallel_access}
    %mul3A_76 = arith.constant 16 : i32
    %mul3A_77 = arith.muli %arg0, %mul3A_76 : i32
    %add3A_78 = arith.addi %mul3A_77, %arg1 : i32
    "tpu.region"() ({
      %run_scoped3A = tpu.sem_alloc : memref<!tpu.dma_semaphore, #tpu.memory_space<semaphore_mem>>
      %dma_start3A_79 = arith.constant 0 : i32
      %dma_start3A_80 = tpu.memref_slice %arg6[%add3A_78, %dma_start3A_79] : memref<32x10240xf32, #tpu.memory_space<hbm>> -> memref<1x10240xf32, #tpu.memory_space<hbm>>
      %dma_start3A_81 = tpu.memref_squeeze %dma_start3A_80 : memref<1x10240xf32, #tpu.memory_space<hbm>> -> memref<10240xf32, #tpu.memory_space<hbm>>
      %dma_start3A_82 = arith.constant 0 : i32
      %dma_start3A_83 = tpu.memref_slice %arg6[%add3A_78, %dma_start3A_82] : memref<32x10240xf32, #tpu.memory_space<hbm>> -> memref<1x10240xf32, #tpu.memory_space<hbm>>
      %dma_start3A_84 = tpu.memref_squeeze %dma_start3A_83 : memref<1x10240xf32, #tpu.memory_space<hbm>> -> memref<10240xf32, #tpu.memory_space<hbm>>
      tpu.enqueue_dma source(%arg13 : memref<10240xf32, #tpu.memory_space<vmem>>) target(%dma_start3A_84 : memref<10240xf32, #tpu.memory_space<hbm>>) target_semaphore(%run_scoped3A : memref<!tpu.dma_semaphore, #tpu.memory_space<semaphore_mem>>)
      %dma_wait3A_85 = arith.constant 0 : i32
      %dma_wait3A_86 = tpu.memref_slice %arg6[%add3A_78, %dma_wait3A_85] : memref<32x10240xf32, #tpu.memory_space<hbm>> -> memref<1x10240xf32, #tpu.memory_space<hbm>>
      %dma_wait3A_87 = tpu.memref_squeeze %dma_wait3A_86 : memref<1x10240xf32, #tpu.memory_space<hbm>> -> memref<10240xf32, #tpu.memory_space<hbm>>
      %dma_wait3A_88 = arith.constant 0 : i32
      %dma_wait3A_89 = tpu.memref_slice %arg6[%add3A_78, %dma_wait3A_88] : memref<32x10240xf32, #tpu.memory_space<hbm>> -> memref<1x10240xf32, #tpu.memory_space<hbm>>
      %dma_wait3A_90 = tpu.memref_squeeze %dma_wait3A_89 : memref<1x10240xf32, #tpu.memory_space<hbm>> -> memref<10240xf32, #tpu.memory_space<hbm>>
      tpu.wait_dma2 semaphore(%run_scoped3A : memref<!tpu.dma_semaphore, #tpu.memory_space<semaphore_mem>>) src(%arg13 : memref<10240xf32, #tpu.memory_space<vmem>>) dst(%dma_wait3A_90 : memref<10240xf32, #tpu.memory_space<hbm>>)
      tpu.yield
    }) : () -> ()
    return
  }
}

module attributes {stable_mosaic.version = 14 : i64} {
  func.func @_final_kernel(%arg0: memref<32x10240xf32, #tpu.memory_space<vmem>>, %arg1: memref<10000x128xf32, #tpu.memory_space<vmem>>, %arg2: memref<128x128xf32, #tpu.memory_space<vmem>>, %arg3: memref<1x128xf32, #tpu.memory_space<vmem>>, %arg4: memref<1x128xf32, #tpu.memory_space<vmem>>) attributes {dimension_semantics = [], scalar_prefetch = 0 : i64, scratch_operands = 0 : i64, tpu.core_type = #tpu.core_type<tc>} {
    %get3A = arith.constant 0 : index
    %get3A_0 = arith.constant 0 : index
    %get3A_1 = vector.load %arg0[%get3A, %get3A_0] : memref<32x10240xf32, #tpu.memory_space<vmem>>, vector<32x10240xf32>
    %reduce_sum3A = arith.constant dense<0.000000e+00> : vector<10240xf32>
    %reduce_sum3A_2 = vector.multi_reduction <add>, %get3A_1, %reduce_sum3A [0] : vector<32x10240xf32> to vector<10240xf32>
    %broadcast_in_dim3A = vector.shape_cast %reduce_sum3A_2 : vector<10240xf32> to vector<1x10240xf32>
    %slice3A = vector.extract_strided_slice %broadcast_in_dim3A {offsets = [0, 0], sizes = [1, 10000], strides = [1, 1]} : vector<1x10240xf32> to vector<1x10000xf32>
    %get3A_3 = arith.constant 0 : index
    %get3A_4 = arith.constant 0 : index
    %get3A_5 = vector.load %arg1[%get3A_3, %get3A_4] : memref<10000x128xf32, #tpu.memory_space<vmem>>, vector<10000x128xf32>
    %dot_general3A = arith.constant dense<0.000000e+00> : vector<1x128xf32>
    %dot_general3A_6 = tpu.matmul %slice3A, %get3A_5, %dot_general3A {dimension_numbers = #tpu.dot_dimension_numbers<[1], [0], [0], [1], [0, 0, 1, 1], [], []>, transpose_lhs_hint = false} : vector<1x10000xf32>, vector<10000x128xf32>, vector<1x128xf32> -> vector<1x128xf32>
    %get3A_7 = arith.constant 0 : index
    %get3A_8 = arith.constant 0 : index
    %get3A_9 = vector.load %arg2[%get3A_7, %get3A_8] : memref<128x128xf32, #tpu.memory_space<vmem>>, vector<128x128xf32>
    %dot_general3A_10 = arith.constant dense<0.000000e+00> : vector<1x128xf32>
    %dot_general3A_11 = tpu.matmul %dot_general3A_6, %get3A_9, %dot_general3A_10 {dimension_numbers = #tpu.dot_dimension_numbers<[1], [0], [0], [1], [0, 0, 1, 1], [], []>, transpose_lhs_hint = false} : vector<1x128xf32>, vector<128x128xf32>, vector<1x128xf32> -> vector<1x128xf32>
    %mul3A = arith.constant 9.99999974E-5 : f32
    %mul3A_12 = vector.broadcast %mul3A : f32 to vector<1x128xf32>
    %mul3A_13 = arith.mulf %dot_general3A_11, %mul3A_12 : vector<1x128xf32>
    %get3A_14 = arith.constant 0 : index
    %get3A_15 = arith.constant 0 : index
    %get3A_16 = vector.load %arg3[%get3A_14, %get3A_15] : memref<1x128xf32, #tpu.memory_space<vmem>>, vector<1x128xf32>
    %add3A = arith.addf %mul3A_13, %get3A_16 : vector<1x128xf32>
    %max3A = arith.constant 0.000000e+00 : f32
    %max3A_17 = vector.broadcast %max3A : f32 to vector<1x128xf32>
    %max3A_18 = arith.maximumf %add3A, %max3A_17 : vector<1x128xf32>
    %swap3A = arith.constant 0 : index
    %swap3A_19 = arith.constant 0 : index
    %swap3A_20 = vector.load %arg4[%swap3A, %swap3A_19] : memref<1x128xf32, #tpu.memory_space<vmem>>, vector<1x128xf32>
    tpu.vector_store %arg4[%swap3A, %swap3A_19], %max3A_18 {strides = array<i32>} : memref<1x128xf32, #tpu.memory_space<vmem>>, vector<1x128xf32>,
    return
  }
}

module attributes {stable_mosaic.version = 14 : i64} {
  func.func @_proj_kernel(%arg0: memref<10000x128xf32, #tpu.memory_space<vmem>>, %arg1: memref<10000x128xf32, #tpu.memory_space<vmem>>, %arg2: memref<128x128xf32, #tpu.memory_space<vmem>>, %arg3: memref<128x128xf32, #tpu.memory_space<vmem>>, %arg4: memref<128x1xf32, #tpu.memory_space<vmem>>, %arg5: memref<128x1xf32, #tpu.memory_space<vmem>>, %arg6: memref<10000xf32, #tpu.memory_space<vmem>>, %arg7: memref<10000xf32, #tpu.memory_space<vmem>>) attributes {dimension_semantics = [], scalar_prefetch = 0 : i64, scratch_operands = 0 : i64, tpu.core_type = #tpu.core_type<tc>} {
    %get3A = arith.constant 0 : index
    %get3A_0 = arith.constant 0 : index
    %get3A_1 = vector.load %arg2[%get3A, %get3A_0] : memref<128x128xf32, #tpu.memory_space<vmem>>, vector<128x128xf32>
    %get3A_2 = arith.constant 0 : index
    %get3A_3 = arith.constant 0 : index
    %get3A_4 = vector.load %arg4[%get3A_2, %get3A_3] : memref<128x1xf32, #tpu.memory_space<vmem>>, vector<128x1xf32>
    %dot_general3A = arith.constant dense<0.000000e+00> : vector<128x1xf32>
    %dot_general3A_5 = tpu.matmul %get3A_1, %get3A_4, %dot_general3A {dimension_numbers = #tpu.dot_dimension_numbers<[1], [0], [0], [1], [0, 0, 1, 1], [], []>, transpose_lhs_hint = false} : vector<128x128xf32>, vector<128x1xf32>, vector<128x1xf32> -> vector<128x1xf32>
    %get3A_6 = arith.constant 0 : index
    %get3A_7 = arith.constant 0 : index
    %get3A_8 = vector.load %arg3[%get3A_6, %get3A_7] : memref<128x128xf32, #tpu.memory_space<vmem>>, vector<128x128xf32>
    %get3A_9 = arith.constant 0 : index
    %get3A_10 = arith.constant 0 : index
    %get3A_11 = vector.load %arg5[%get3A_9, %get3A_10] : memref<128x1xf32, #tpu.memory_space<vmem>>, vector<128x1xf32>
    %dot_general3A_12 = arith.constant dense<0.000000e+00> : vector<128x1xf32>
    %dot_general3A_13 = tpu.matmul %get3A_8, %get3A_11, %dot_general3A_12 {dimension_numbers = #tpu.dot_dimension_numbers<[1], [0], [0], [1], [0, 0, 1, 1], [], []>, transpose_lhs_hint = false} : vector<128x128xf32>, vector<128x1xf32>, vector<128x1xf32> -> vector<128x1xf32>
    %get3A_14 = arith.constant 0 : index
    %get3A_15 = arith.constant 0 : index
    %get3A_16 = vector.load %arg0[%get3A_14, %get3A_15] : memref<10000x128xf32, #tpu.memory_space<vmem>>, vector<10000x128xf32>
    %dot_general3A_17 = arith.constant dense<0.000000e+00> : vector<10000x1xf32>
    %dot_general3A_18 = tpu.matmul %get3A_16, %dot_general3A_5, %dot_general3A_17 {dimension_numbers = #tpu.dot_dimension_numbers<[1], [0], [0], [1], [0, 0, 1, 1], [], []>, transpose_lhs_hint = false} : vector<10000x128xf32>, vector<128x1xf32>, vector<10000x1xf32> -> vector<10000x1xf32>
    %reshape3A = vector.shape_cast %dot_general3A_18 : vector<10000x1xf32> to vector<10000xf32>
    %swap3A = arith.constant 0 : index
    %swap3A_19 = vector.load %arg6[%swap3A] : memref<10000xf32, #tpu.memory_space<vmem>>, vector<10000xf32>
    tpu.vector_store %arg6[%swap3A], %reshape3A {strides = array<i32>} : memref<10000xf32, #tpu.memory_space<vmem>>, vector<10000xf32>,
    %get3A_20 = arith.constant 0 : index
    %get3A_21 = arith.constant 0 : index
    %get3A_22 = vector.load %arg1[%get3A_20, %get3A_21] : memref<10000x128xf32, #tpu.memory_space<vmem>>, vector<10000x128xf32>
    %dot_general3A_23 = arith.constant dense<0.000000e+00> : vector<10000x1xf32>
    %dot_general3A_24 = tpu.matmul %get3A_22, %dot_general3A_13, %dot_general3A_23 {dimension_numbers = #tpu.dot_dimension_numbers<[1], [0], [0], [1], [0, 0, 1, 1], [], []>, transpose_lhs_hint = false} : vector<10000x128xf32>, vector<128x1xf32>, vector<10000x1xf32> -> vector<10000x1xf32>
    %reshape3A_25 = vector.shape_cast %dot_general3A_24 : vector<10000x1xf32> to vector<10000xf32>
    %swap3A_26 = arith.constant 0 : index
    %swap3A_27 = vector.load %arg7[%swap3A_26] : memref<10000xf32, #tpu.memory_space<vmem>>, vector<10000xf32>
    tpu.vector_store %arg7[%swap3A_26], %reshape3A_25 {strides = array<i32>} : memref<10000xf32, #tpu.memory_space<vmem>>, vector<10000xf32>,
    return
  }
}

</mosaic_0001>

<sc_bundles>
// kernel: kernel.5.cloned.1.call-start
scs
__scs_entry_jumppad:
0x0: {  	(pc) =	sbr.rel $0x88, $3  }
0x1: {  	(tag) =	ssettag $0x0;
	lr =	simm.s32 $0x1  }
0x2: {  	[smem:$0x3F99] =	sst lr;
	_ =	strace $0xD0000000  }
0x3: {  	_ = 	snop  }
0x4: {  	_ = 	snop  }
0x5: {  	_ = 	snop  }
0x6: {  	_ = 	snop  }
0x7: {  	_ = 	snop  }
__scs_overlays_trampoline_lowered:
0x8: {  	[smem:$0x3FA8] =	sst s0  }
0x9: {  	[smem:$0x3FA9] =	sst s1  }
0xa: {  	[smem:$0x3FAA] =	sst s2  }
0xb: {  	[smem:$0x3FAB] =	sst s3  }
0xc: {  	[smem:$0x3FAC] =	sst s4  }
0xd: {  	[smem:$0x3FAD] =	sst s5  }
0xe: {  	[smem:$0x3FAE] =	sst s6  }
0xf: {  	[smem:$0x3FAF] =	sst s7  }
0x10: {  	[smem:$0x3FB0] =	sst s8  }
0x11: {  	[smem:$0x3FB1] =	sst s9;
	s0 =	simm.s32 @!p0 $0x0  }
0x12: {  	s1 =	sld [smem:$0x3F97];
	s0 =	simm.s32 @p0 $0x1  }
0x13: {  	[smem:$0x3FB2] =	sst s0;
	s0 =	simm.s32 @!p1 $0x0  }
0x14: {  	s2 =	sld [smem:$0x3F96];
	s0 =	simm.s32 @p1 $0x1  }
0x15: {  	[smem:$0x3FB3] =	sst s0;
	s0 =	simm.s32 @!p2 $0x0  }
0x16: {  	s3 =	sld [smem:$0x3FDB];
	s0 =	simm.s32 @p2 $0x1  }
0x17: {  	s4 =	simm.s32 $0x1BF5;
	[smem:$0x3FB5] =	sst s0  }
0x18: {  	s0 =	sld [smem:$0x3F98];
	_ =	swait.ge [sflag:s4], $0x0  }
0x19: {  	s7 =	sld [smem:$0x3F99]  }
0x1a: {  	s8 =	sadd.s32 $0xFFFFE003, lr  }
0x1b: {  	s9 =	sadd.s32 $0xFFFFFEF7, lr;
	s5 =	simm.s32 $0xFFFFFFFF;
	p2 =	slt.u32 s8, $0xFFFFF086  }
0x1c: {  	p1 =	slt.u32 s9, $0xF7A;
	s5 =	simm.s32 @!p2 $0x0  }
0x1d: {  	s5 =	simm.s32 @p1 $0x1;
	p0 =	seq.s32 s7, s2  }
0x1e: {  	s7 =	smul.u32 @!p0 $0xF7A, s2;
	p2 =	seq.s32 @!p0 s5, $0x0  }
0x1f: {  	s9 =	smul.u32 $0xF7A, s1;
	s8 =	simm.s32 @!p0 $0x1BF5;
	p2 =	por !p2, p0  }
0x20: {  	[sflag:s8] =	ssyncset.s32 @!p0 $0xFFFFF086;
	s6 =	sadd.s32 @!p0 s3, s7;
	s7 =	simm.s32 @!p0 $0x108  }
0x21: {  	s3 =	sadd.s32 s3, s9;
	s6 =	sadd.s32 @!p0 $0x88, s6;
	s7 =	simm.s32 @p2 $0x1082  }
0x22: {  	[simem:s7], [sflag:s8] =	dma.local @!p0 [hbm:s6], $0xF7A  }
0x23: {  	s9 =	sor.u32 $0xD0000000, s2;
	s6 =	simm.s32 $0x108;
	_ =	swait.ge @!p0 [sflag:s8], $0x0  }
0x24: {  	s3 =	sadd.s32 $0x88, s3;
	s6 =	simm.s32 @!p1 $0x1082;
	[sflag:s4] =	ssyncset.s32 $0xFFFFF086  }
0x25: {  	[simem:s6], [sflag:s4] =	dma.local [hbm:s3], $0xF7A  }
0x26: {  	[smem:$0x3F99] =	sst s1;
	(tag) =	ssettag s2;
	_ =	strace s9  }
0x27: {  	s1 =	sld [smem:$0x3FA9]  }
0x28: {  	s2 =	sld [smem:$0x3FAA]  }
0x29: {  	s4 =	sld [smem:$0x3FAC]  }
0x2a: {  	p0 =	seq.s32 s5, $0x0;
	s5 =	sld [smem:$0x3FAD]  }
0x2b: {  	s6 =	sld [smem:$0x3FAE]  }
0x2c: {  	s7 =	sld [smem:$0x3FAF]  }
0x2d: {  	s3 =	simm.s32 $0x108;
	s8 =	sld [smem:$0x3FB0]  }
0x2e: {  	s3 =	simm.s32 @!p0 $0x1082;
	s9 =	sld [smem:$0x3FB1]  }
0x2f: {  	lr =	sadd.s32 s0, s3;
	s0 =	sld [smem:$0x3FA8]  }
0x30: {  	s3 =	sld [smem:$0x3FAB]  }
0x31: {  	[smem:$0x3FB4] =	sst s10  }
0x32: {  	s10 =	sld [smem:$0x3FB2];
	_ =	sdelay $0x3  }
0x33: {  	p0 =	seq.s32 s10, $0x1;
	s10 =	sld [smem:$0x3FB4];
	_ =	sdelay $0x3  }
0x34: {  	[smem:$0x3FB4] =	sst s10  }
0x35: {  	s10 =	sld [smem:$0x3FB3];
	_ =	sdelay $0x3  }
0x36: {  	p1 =	seq.s32 s10, $0x1;
	s10 =	sld [smem:$0x3FB4];
	_ =	sdelay $0x3  }
0x37: {  	[smem:$0x3FB4] =	sst s10  }
0x38: {  	s10 =	sld [smem:$0x3FB5]  }
0x39: {  	_ = 	snop;
	(pc) =	sbr.ind lr, $3  }
0x3a: {  	_ = 	snop  }
0x3b: {  	_ = 	snop  }
0x3c: {  	p2 =	seq.s32 s10, $0x1;
	s10 =	sld [smem:$0x3FB4]  }
0x3d: {  	_ =	shalt  }
0x3e: {  	_ =	shalt  }
0x3f: {  	_ =	shalt  }
0x40: {  	_ =	shalt  }
0x41: {  	_ =	shalt  }
0x42: {  	_ =	shalt  }
0x43: {  	_ =	shalt  }
0x44: {  	_ =	shalt  }
0x45: {  	_ =	shalt  }
0x46: {  	_ =	shalt  }
0x47: {  	_ =	shalt  }
0x48: {  	_ =	shalt  }
0x49: {  	_ =	shalt  }
0x4a: {  	_ =	shalt  }
0x4b: {  	_ =	shalt  }
0x4c: {  	_ =	shalt  }
0x4d: {  	_ =	shalt  }
0x4e: {  	_ =	shalt  }
0x4f: {  	_ =	shalt  }
0x50: {  	_ =	shalt  }
0x51: {  	_ =	shalt  }
0x52: {  	_ =	shalt  }
0x53: {  	_ =	shalt  }
0x54: {  	_ =	shalt  }
0x55: {  	_ =	shalt  }
0x56: {  	_ =	shalt  }
0x57: {  	_ =	shalt  }
0x58: {  	_ =	shalt  }
0x59: {  	_ =	shalt  }
0x5a: {  	_ =	shalt  }
0x5b: {  	_ =	shalt  }
0x5c: {  	_ =	shalt  }
0x5d: {  	_ =	shalt  }
0x5e: {  	_ =	shalt  }
0x5f: {  	_ =	shalt  }
0x60: {  	_ =	shalt  }
0x61: {  	_ =	shalt  }
0x62: {  	_ =	shalt  }
0x63: {  	_ =	shalt  }
0x64: {  	_ =	shalt  }
0x65: {  	_ =	shalt  }
0x66: {  	_ =	shalt  }
0x67: {  	_ =	shalt  }
0x68: {  	_ =	shalt  }
0x69: {  	_ =	shalt  }
0x6a: {  	_ =	shalt  }
0x6b: {  	_ =	shalt  }
0x6c: {  	_ =	shalt  }
0x6d: {  	_ =	shalt  }
0x6e: {  	_ =	shalt  }
0x6f: {  	_ =	shalt  }
0x70: {  	_ =	shalt  }
0x71: {  	_ =	shalt  }
0x72: {  	_ =	shalt  }
0x73: {  	_ =	shalt  }
0x74: {  	_ =	shalt  }
0x75: {  	_ =	shalt  }
0x76: {  	_ =	shalt  }
0x77: {  	_ =	shalt  }
0x78: {  	_ =	shalt  }
0x79: {  	_ =	shalt  }
0x7a: {  	_ =	shalt  }
0x7b: {  	_ =	shalt  }
0x7c: {  	_ =	shalt  }
0x7d: {  	_ =	shalt  }
0x7e: {  	_ =	shalt  }
0x7f: {  	_ =	shalt  }
0x80: {  	_ =	shalt  }
0x81: {  	_ =	shalt  }
0x82: {  	_ =	shalt  }
0x83: {  	_ =	shalt  }
0x84: {  	_ =	shalt  }
0x85: {  	_ =	shalt  }
0x86: {  	_ =	shalt  }
0x87: {  	_ =	shalt  }
.Lfunc_end0:
.L_simem_size_0:
called_computation_lowered:
.L_overlay_start_0:
0x88: {  	s2 =	sld [smem:$0x3FD9]  }
0x89: {  	s3 =	sld [smem:$0x3FFE];
	_ =	sdelay $0x1  }
0x8a: {  	s1 =	srdreg.scid  }
0x8b: {  	s0 =	sand.u32 $0x1, s1  }
0x8c: {  	s16 =	sshll.u32 s0, $0xA;
	s2 =	sadd.s32 s3, s2  }
0x8d: {  	s2 =	sadd.s32 s2, s16  }
0x8e: {  	[smem:$0x3FC0] =	sst s2  }
0x8f: {  	_ = 	snop  }
0x90: {  	(tm) =	ssettm $0x1  }
0x91: {  	s17 =	sld [smem:$0x3FFB];
	_ =	sdelay $0x3  }
0x92: {  	_ =	strace s17  }
0x93: {  	s2 =	sld [smem:$0x3FFC];
	_ =	sdelay $0x3  }
0x94: {  	_ =	strace s2  }
0x95: {  	s2 =	sld [smem:$0x3FFD];
	_ =	sdelay $0x3  }
0x96: {  	_ =	strace s2  }
0x97: {  	_ =	strace $0x8FFFFFFF  }
0x98: {  	s18 =	sld [smem:$0x3FDB];
	_ =	sdelay $0x1  }
0x99: {  	s19 =	simm.s32 $_scs_section_size  }
0x9a: {  	s4 =	simm.s32 $_size__tile_overlayer_lowered;
	s5 =	simm.s32 $_tile_overlayer_lowered  }
0x9b: {  	s22 =	simm.s32 $0x1BFF;
	s21 =	sshll.u32 s5, $0x1;
	s2 =	sadd.s32 s19, s18  }
0x9c: {  	s6 =	simm.s32 $0x0;
	s20 =	sshll.u32 s4, $0x1;
	s4 =	sadd.s32 s21, s2  }
0x9d: {  	[timem:s6], [sflag:s22] =	dma.local [hbm:s4], s20  }
0x9e: {  	_ =	swait.ge [sflag:s22], s20  }
0x9f: {  	s3 =	ssub.s32 $0x0, s20;
	[sflag:s22] =	ssyncset.done $0x0  }
0xa0: {  	[sflag:s22] =	ssyncadd.s32 s3;
	_ =	sdelay $0x1  }
0xa1: {  	s23 =	simm.s32 $0x1B8B  }
0xa2: {  	_ =	swait.ge [sflag:s23], $0x1  }
0xa3: {  	[sflag:s23] =	ssyncset.done $0x0  }
0xa4: {  	s25 =	simm.s32 $0x1B8E;
	s24 =	sld [smem:$0x3FFE];
	[sflag:s23] =	ssyncadd.s32 $0xFFFFFFFF  }
0xa5: {  	s26 =	simm.s32 $execute0_lowered;
	[smem:$0x3FD2] =	sst s25  }
0xa6: {  	s4 =	sshll.u32 s26, $0x1;
	_ =	strace $0x80000046;
	[dreg:$0x1] =	wrdreg $0xFFFFFFFF  }
0xa7: {  	s28 =	simm.s32 $_size_execute0_lowered;
	s2 =	sadd.s32 s2, s4;
	[dreg:$0x0] =	wrdreg $0x0  }
0xa8: {  	s4 =	sshll.u32 s28, $0x1;
	[dreg:$0x2] =	wrdreg s2  }
0xa9: {  	[dreg:$0x3] =	wrdreg s4  }
0xaa: {  	[dreg:$0x4] =	wrdreg $0xC0  }
0xab: {  	_ =	task [dreg:s6], $0x5FFFF  }
0xac: {  	[dreg:$0x1] =	wrdreg $0xFFFFFFFF  }
0xad: {  	[dreg:$0x0] =	wrdreg $0x60  }
0xae: {  	[dreg:$0x2] =	wrdreg s24  }
0xaf: {  	[dreg:$0x3] =	wrdreg $0x1B5000  }
0xb0: {  	[dreg:$0x4] =	wrdreg $0x1DD000  }
0xb1: {  	[dreg:$0x5] =	wrdreg $0x9  }
0xb2: {  	_ =	task.clear_ibuf [dreg:s6], $0x6FFFF;
	_ =	strace $0x90000046  }
0xb3: {  	s29 =	simm.s32 $0x9;
	_ =	strace $0x80000048  }
0xb4: {  	_ =	swait.ge [sflag:s29], $0x1  }
0xb5: {  	[sflag:s29] =	ssyncadd.s32 $0xFFFFFFFF  }
0xb6: {  	_ =	strace $0x90000048  }
0xb7: {  	_ =	sfence  }
0xb8: {  	s30 =	sld [smem:$0x0];
	_ =	sdelay $0x2  }
0xb9: {  	s31 =	sshll.u32 s1, $0xD;
	s1 =	sshrl.u32 s1, $0x2  }
0xba: {  	s3 =	sand.u32 $0x4000, s31;
	s1 =	sadd.s32 s1, s30  }
0xbb: {  	s0 =	sor.u32 s3, s0;
	s1 =	sshll.u32 s1, $0x11  }
0xbc: {  	s0 =	sor.u32 s1, s0  }
0xbd: {  	s0 =	sadd.s32 $0x8F2B, s0  }
0xbe: {  	[sflag:s0] =	ssyncadd.remote.s32 $0x1  }
0xbf: {  	_ =	sfence.sel $0xFFFF  }
0xc0: {  	[dreg:$0x0] =	wrdreg $0xFFFFFFFF;
	(pc) =	sbr.abs _section_cstart, $3  }
0xc1: {  	[dreg:$0x1] =	wrdreg $0xFFFFFFFF  }
0xc2: {  	_ =	task.clear_ibuf [dreg:s6], $0x2FFFF;
	_ =	strace $0x9FFFFFFF  }
0xc3: {  	(tm) =	ssettm $0x7FFFFFFF  }
tec
execute0_lowered:
.L_overlay_start_1:
0x0: {  	(tag) =	ssettag $0x1  }
0x1: {  	s0 =	rddreg [dreg:$0x0]  }
0x2: {  	s2 =	rddreg [dreg:$0x1]  }
0x3: {  	s1 =	srdreg.scid;
	s11 =	rddreg [dreg:$0x2];
	s12 =	simm.s32 $0x0  }
0x4: {  	s10 =	stileid.u32;
	s1 =	sand.u32 $0x1, s1;
	[smem:$0x7FF] =	sst s12  }
0x5: {  	s4 =	sshll.u32 s10, $0x7;
	s5 =	sadd.s32 $0xAC00, s0;
	s8 =	smul.u32 $0x4E20, s10  }
0x6: {  	s6 =	sadd.s32 $0xE00, s0;
	s7 =	sadd.s32 $0x14A00, s0;
	s17 =	smul.u32 $0x5000, s10  }
0x7: {  	s29 =	sadd.s32 $0x15000, s0;
	s9 =	sshrl.u32 s10, $0x3;
	s20 =	smul.u32 $0xA00, s10  }
0x8: {  	s3 =	sshll.u32 s1, $0x4;
	_ =	strace $0x80000047;
	s13 =	smul.u32 $0x50000, s9  }
0x9: {  	s4 =	sand.u32 $0x380, s4;
	[dreg:$0x9] =	wrdreg s7;
	s18 =	smul.u32 $0x9C40, s1  }
0xa: {  	[dreg:$0xa] =	wrdreg s29;
	s30 =	ssub.s32 $0x2, s1;
	s21 =	smul.u32 $0x2710, s1  }
0xb: {  	s1 =	sshll.u32 s1, $0x6;
	s9 =	simm.s32 $0x13A80;
	s3 =	sor.u32 s10, s3  }
0xc: {  	s31 =	sshrl.u32 s30, $0x1;
	s8 =	sshrl.u32 s8, $0x3;
	s19 =	sshrl.u32 s17, $0x2  }
0xd: {  	s23 =	sshrl.u32 s20, $0x2;
	s10 =	simm.s32 $0x80;
	s3 =	sshrl.u32 s3, $0x3  }
0xe: {  	s14 =	sadd.s32 s5, s8;
	s15 =	sadd.s32 s6, s8;
	s7 =	sadd.s32 $0x4E2, s8  }
0xf: {  	s16 =	sshrl.u32 s13, $0x2;
	s22 =	sand.u32 $0xFE00, s18;
	[dreg:$0xb] =	wrdreg s14  }
0x10: {  	s24 =	sadd.s32 $0x2700, s21;
	s29 =	sshrl.u32 s18, $0x2;
	[dreg:$0xc] =	wrdreg s15  }
0x11: {  	s8 =	simm.s32 $0x2780;
	s5 =	sadd.s32 s5, s7;
	[dreg:$0x12] =	wrdreg s24  }
0x12: {  	s13 =	simm.s32 $0x4;
	s6 =	sadd.s32 s6, s7;
	[dreg:$0xd] =	wrdreg s5  }
0x13: {  	s3 =	smul.u32 $0x14000, s3;
	s1 =	sor.u32 s1, s22;
	[dreg:$0xe] =	wrdreg s6  }
0x14: {  	s5 =	sadd.s32 s16, s2;
	s2 =	sadd.s32 s19, s2;
	s1 =	sshrl.u32 s1, $0x2  }
0x15: {  	s3 =	sor.u32 s4, s3;
	s4 =	sadd.s32 s4, s5;
	[dreg:$0x10] =	wrdreg s2  }
0x16: {  	s2 =	sadd.s32 s23, s11;
	s26 =	sadd.s32 $0xEC00, s1;
	s3 =	sshrl.u32 s3, $0x3  }
0x17: {  	s0 =	sadd.s32 s3, s0;
	s3 =	ssub.s32 s30, s31;
	s31 =	sadd.s32 $0x9DC0, s29  }
0x18: {  	s28 =	sadd.s32 $0x9D80, s1;
	s1 =	sadd.s32 $0x4F00, s1;
	[dreg:$0xf] =	wrdreg s4;
	v4 =	vmov s31  }
0x19: {  	[dreg:$0x11] =	wrdreg s2;
	v1 =	vmov s28;
	s30 =	sadd.s32 $0xEC40, s29;
	s0 =	sadd.s32 $0x15600, s0  }
0x1a: {  	v6 =	vimm.f32 $0.0e+00;
	v0 =	vmov s1;
	s25 =	smax.u32 s3, $0x1;
	s3 =	sadd.s32 $0x4F40, s29;
	[dreg:$0x13] =	wrdreg s0  }
0x1b: {  	s11 =	simm.s32 $0x400;
	v2 =	vmov s26;
	s1 =	simm.s32 $0x0;
	v5 =	vmov s30;
	[dreg:$0x14] =	wrdreg s25;
	v3 =	vmov s3  }
.LBB2_1:
0x1c: {  	[dreg:$0x15] =	wrdreg s1  }
0x1d: {  	s0 =	rddreg [dreg:$0x9]  }
0x1e: {  	[tilespmem:s12], [sflag:$0x1] =	stream.linear.gather [hbm4b:s0+s12], $0x2780, $0x38;
	[tilespmem:$0x1DF80] =	vst v63  }
0x1f: {  	s22 =	rddreg [dreg:$0xa]  }
0x20: {  	[tilespmem:s8], [sflag:$0x1] =	stream.linear.gather [hbm4b:s22+s12], $0x2780, $0x38;
	[tilespmem:$0x1DF80] =	vst v63  }
0x21: {  	s23 =	rddreg [dreg:$0xb];
	s24 =	simm.s32 $0x4F00  }
0x22: {  	[tilespmem:s24], [sflag:$0x2] =	stream.linear.gather [hbm4b:s23+s12], $0x2710, $0x38;
	[tilespmem:$0x1DF80] =	vst v63  }
0x23: {  	s25 =	rddreg [dreg:$0xc];
	s26 =	simm.s32 $0x9D80  }
0x24: {  	[tilespmem:s26], [sflag:$0x2] =	stream.linear.gather [hbm4b:s25+s12], $0x2710, $0x38;
	[tilespmem:$0x1DF80] =	vst v63  }
0x25: {  	s28 =	rddreg [dreg:$0xd];
	s29 =	simm.s32 $0x7610  }
0x26: {  	[tilespmem:s29], [sflag:$0x3] =	stream.linear.gather [hbm4b:s28+s12], $0x2710, $0x38;
	[tilespmem:$0x1DF80] =	vst v63  }
0x27: {  	s30 =	rddreg [dreg:$0xe];
	s31 =	simm.s32 $0xC490;
	s0 =	simm.s32 $0x13AC0  }
0x28: {  	[tilespmem:s31], [sflag:$0x3] =	stream.linear.gather [hbm4b:s30+s12], $0x2710, $0x38;
	[tilespmem:$0x1DF80] =	vst v63  }
0x29: {  	[tilespmem:s0+$0x30] =	vst v6  }
0x2a: {  	[tilespmem:s0+$0xFFFFFFF0] =	vst v6  }
0x2b: {  	[tilespmem:s0+$0xFFFFFFC0] =	vst v6  }
0x2c: {  	[tilespmem:s0+$0xFFFFFFE0] =	vst v6  }
0x2d: {  	[tilespmem:s0+$0x10] =	vst v6  }
0x2e: {  	[tilespmem:s0+$0x20] =	vst v6  }
0x2f: {  	[tilespmem:s0+$0x0] =	vst v6  }
0x30: {  	s1 =	simm.s32 $0x162C0;
	[tilespmem:s0+$0xFFFFFFD0] =	vst v6  }
0x31: {  	[tilespmem:s1+$0xFFFFFFC0] =	vst v6  }
0x32: {  	[tilespmem:s1+$0x30] =	vst v6  }
0x33: {  	[tilespmem:s1+$0x20] =	vst v6  }
0x34: {  	[tilespmem:s1+$0x10] =	vst v6  }
0x35: {  	[tilespmem:s1+$0xFFFFFFE0] =	vst v6  }
0x36: {  	[tilespmem:s1+$0x0] =	vst v6  }
0x37: {  	s2 =	simm.s32 $0x0;
	[tilespmem:s1+$0xFFFFFFF0] =	vst v6  }
.LBB2_2:
0x38: {  	s2 =	sadd.s32 $0x80, s2;
	[tilespmem:s1+$0xFFFFFFD0] =	vst v6;
	s0 =	sadd.s32 $0x80, s0;
	s1 =	sadd.s32 $0x80, s1  }
0x39: {  	[tilespmem:s0+$0x30] =	vst v6;
	p0 =	slt.u32 s2, $0x2780  }
0x3a: {  	[tilespmem:s0+$0xFFFFFFF0] =	vst v6  }
0x3b: {  	[tilespmem:s0+$0xFFFFFFC0] =	vst v6  }
0x3c: {  	[tilespmem:s1+$0xFFFFFFC0] =	vst v6  }
0x3d: {  	[tilespmem:s1+$0x30] =	vst v6  }
0x3e: {  	[tilespmem:s0+$0xFFFFFFE0] =	vst v6  }
0x3f: {  	[tilespmem:s0+$0x10] =	vst v6  }
0x40: {  	[tilespmem:s0+$0x20] =	vst v6  }
0x41: {  	[tilespmem:s1+$0x20] =	vst v6  }
0x42: {  	[tilespmem:s1+$0x10] =	vst v6  }
.Ltmp0:
0x43: {  	[tilespmem:s1+$0xFFFFFFE0] =	vst v6;
	(pc) =	sbr.rel @p0 .LBB2_2-.Ltmp0, $4  }
0x44: {  	[tilespmem:s0+$0x0] =	vst v6  }
0x45: {  	[tilespmem:s1+$0x0] =	vst v6  }
0x46: {  	[tilespmem:s1+$0xFFFFFFF0] =	vst v6  }
0x47: {  	[tilespmem:s0+$0xFFFFFFD0] =	vst v6  }
0x48: {  	[tilespmem:s1+$0xFFFFFFD0] =	vst v6;
	s0 =	simm.s32 $0x1  }
0x49: {  	_ =	swait.ge [sflag:s0], $0x2780  }
0x4a: {  	[sflag:s0] =	ssyncset.done $0x0  }
0x4b: {  	[sflag:s0] =	ssyncadd.s32 $0xFFFFD880  }
0x4c: {  	_ =	swait.ge [sflag:s0], $0x2780  }
0x4d: {  	[sflag:s0] =	ssyncset.done $0x0  }
0x4e: {  	s29 =	simm.s32 $0x2;
	[sflag:s0] =	ssyncadd.s32 $0xFFFFD880  }
0x4f: {  	_ =	swait.ge [sflag:s29], $0x2710  }
0x50: {  	[sflag:s29] =	ssyncset.done $0x0  }
0x51: {  	[sflag:s29] =	ssyncadd.s32 $0xFFFFD8F0  }
0x52: {  	_ =	swait.ge [sflag:s29], $0x2710  }
0x53: {  	[sflag:s29] =	ssyncset.done $0x0  }
0x54: {  	s30 =	simm.s32 $0x4F40;
	[sflag:s29] =	ssyncadd.s32 $0xFFFFD8F0  }
0x55: {  	s31 =	simm.s32 $0x9DC0;
	v8 =	vld [tilespmem:s30+$0xFFFFFFC0]  }
0x56: {  	v10 =	vld [tilespmem:s31+$0xFFFFFFC0]  }
0x57: {  	v7 =	vld [tilespmem:s31+$0x10]  }
0x58: {  	v13 =	vld [tilespmem:s31+$0x30]  }
0x59: {  	v11 =	vld [tilespmem:s31+$0x20]  }
0x5a: {  	v12 =	vld [tilespmem:s30+$0xFFFFFFE0]  }
0x5b: {  	v9 =	vld [tilespmem:s31+$0xFFFFFFE0]  }
0x5c: {  	v16 =	vld [tilespmem:s30+$0x30]  }
0x5d: {  	v14 =	vld [tilespmem:s31+$0x0]  }
0x5e: {  	v17 =	vld [tilespmem:s30+$0x0]  }
0x5f: {  	v19 =	vld [tilespmem:s30+$0x10]  }
0x60: {  	v23 =	vld [tilespmem:s30+$0x20]  }
0x61: {  	v24 =	vld [tilespmem:s30+$0xFFFFFFD0]  }
0x62: {  	v25 =	vld [tilespmem:s30+$0xFFFFFFF0]  }
0x63: {  	v18 =	vld.idx.msk [tilespmem:v7+s8+$0x0], $0xffff  }
0x64: {  	v20 =	vld.idx.msk [tilespmem:v8+s12+$0x0], $0xffff  }
0x65: {  	v22 =	vld.idx.msk [tilespmem:v13+s8+$0x0], $0xffff  }
0x66: {  	v16 =	vld.idx.msk [tilespmem:v16+s12+$0x0], $0xffff  }
0x67: {  	v15 =	vld.idx.msk [tilespmem:v12+s12+$0x0], $0xffff  }
0x68: {  	v8 =	vld [tilespmem:s31+$0xFFFFFFD0]  }
0x69: {  	v21 =	vld.idx.msk [tilespmem:v10+s8+$0x0], $0xffff  }
0x6a: {  	v12 =	vld [tilespmem:s31+$0xFFFFFFF0]  }
0x6b: {  	v19 =	vld.idx.msk [tilespmem:v19+s12+$0x0], $0xffff;
	v16 =	vadd.f32 v22, v16  }
0x6c: {  	v26 =	vld.idx.msk [tilespmem:v17+s12+$0x0], $0xffff  }
0x6d: {  	v27 =	vld.idx.msk [tilespmem:v14+s8+$0x0], $0xffff;
	v17 =	vmul.f32 $2.000000030e-01, v16  }
0x6e: {  	v28 =	vld.idx.msk [tilespmem:v11+s8+$0x0], $0xffff  }
0x6f: {  	v29 =	vld.idx.msk [tilespmem:v23+s12+$0x0], $0xffff;
	v16 =	vmax.f32 v16, v17  }
0x70: {  	v20 =	vadd.f32 v21, v20;
	v17 =	vld.idx.msk [tilespmem:v24+s12+$0x0], $0xffff;
	v24 =	vmul.f32 $1.442695020e+00, v16  }
0x71: {  	v19 =	vadd.f32 v18, v19  }
0x72: {  	v18 =	vld.idx.msk [tilespmem:v25+s12+$0x0], $0xffff;
	v23 =	vadd.f32 v27, v26;
	v21 =	vmul.f32 $2.000000030e-01, v20;
	(erf) = vpow2.f32 v24  }
0x73: {  	v22 =	vld.idx.msk [tilespmem:v9+s8+$0x0], $0xffff;
	v26 =	vmul.f32 $2.000000030e-01, v19  }
0x74: {  	s4 =	simm.s32 $0xEC40;
	s5 =	simm.s32 $0x0;
	v25 =	vmul.f32 $2.000000030e-01, v23;
	v16 =	vmax.f32 v20, v21;
	v20 =	vld.idx.msk [tilespmem:v12+s8+$0x0], $0xffff  }
0x75: {  	s6 =	simm.s32 $0x4FC0;
	s7 =	simm.s32 $0x9E40;
	s0 =	simm.s32 $0xEC40;
	v19 =	vmax.f32 v19, v26;
	v21 =	vld.idx.msk [tilespmem:v8+s8+$0x0], $0xffff;
	v16 =	vmul.f32 $1.442695020e+00, v16;
	v24 =	vadd.f32 v28, v29  }
.LBB2_4:
0x76: {  	v26 =	vld [tilespmem:s6+$0xFFFFFFC0];
	s5 =	sadd.s32 $0x80, s5;
	s4 =	sadd.s32 $0x80, s4  }
0x77: {  	v27 =	vld [tilespmem:s7+$0xFFFFFFC0];
	p0 =	slt.u32 s5, $0x2680;
	v23 =	vmax.f32 v23, v25;
	v25 =	vmul.f32 $2.000000030e-01, v24  }
0x78: {  	v28 =	vld [tilespmem:s7+$0x10];
	v23 =	vmul.f32 $1.442695020e+00, v23  }
0x79: {  	v15 =	vadd.f32 v22, v15;
	v29 =	vld [tilespmem:s7+$0x30];
	v22 =	vmax.f32 v24, v25  }
0x7a: {  	v24 =	vld [tilespmem:s7+$0x20];
	v22 =	vmul.f32 $1.442695020e+00, v22;
	(erf) = vpow2.f32 v23  }
0x7b: {  	v17 =	vadd.f32 v21, v17;
	v21 =	vmul.f32 $2.000000030e-01, v15;
	v23 =	vld [tilespmem:s6+$0xFFFFFFE0];
	v25 =	vpop (erf)  }
0x7c: {  	v19 =	vmul.f32 $1.442695020e+00, v19;
	v18 =	vadd.f32 v20, v18;
	v30 =	vld [tilespmem:s7+$0xFFFFFFE0];
	[tilespmem:s0+$0x30] =	vst v25;
	(erf) = vpow2.f32 v16  }
0x7d: {  	v20 =	vmul.f32 $2.000000030e-01, v17;
	v15 =	vmax.f32 v15, v21;
	v16 =	vld [tilespmem:s6+$0x30];
	(erf) = vpow2.f32 v22  }
0x7e: {  	v15 =	vmul.f32 $1.442695020e+00, v15;
	v22 =	vmul.f32 $2.000000030e-01, v18;
	v21 =	vld [tilespmem:s7+$0x0]  }
0x7f: {  	v17 =	vmax.f32 v17, v20;
	v31 =	vld [tilespmem:s6+$0x0]  }
0x80: {  	v17 =	vmul.f32 $1.442695020e+00, v17;
	v18 =	vmax.f32 v18, v22;
	v20 =	vld.idx.msk [tilespmem:v28+s8+$0x0], $0xffff;
	(erf) = vpow2.f32 v15  }
0x81: {  	v15 =	vmul.f32 $1.442695020e+00, v18;
	v22 =	vld [tilespmem:s6+$0x10]  }
0x82: {  	[tilespmem:v13+s9+$0x0] =	vst.idx.add.f32.msk $0xffff, v25;
	v13 =	vmov v29  }
0x83: {  	v18 =	vld.idx.msk [tilespmem:v26+s12+$0x0], $0xffff;
	(erf) = vpow2.f32 v15;
	v25 =	vpop (erf)  }
0x84: {  	v15 =	vld.idx.msk [tilespmem:v23+s12+$0x0], $0xffff;
	[tilespmem:s0+$0x0] =	vst v25  }
0x85: {  	[tilespmem:v14+s9+$0x0] =	vst.idx.add.f32.msk $0xffff, v25;
	v23 =	vpop (erf);
	v14 =	vmov v21  }
0x86: {  	v21 =	vld [tilespmem:s7+$0xFFFFFFD0];
	[tilespmem:s0+$0xFFFFFFC0] =	vst v23;
	v25 =	vpop (erf)  }
0x87: {  	[tilespmem:v10+s9+$0x0] =	vst.idx.add.f32.msk $0xffff, v23;
	(erf) = vpow2.f32 v19;
	v10 =	vmov v27  }
0x88: {  	v19 =	vld.idx.msk [tilespmem:v27+s8+$0x0], $0xffff;
	[tilespmem:s0+$0x20] =	vst v25  }
0x89: {  	[tilespmem:v11+s9+$0x0] =	vst.idx.add.f32.msk $0xffff, v25;
	v23 =	vpop (erf);
	v11 =	vmov v24  }
0x8a: {  	v24 =	vld [tilespmem:s7+$0xFFFFFFF0];
	[tilespmem:s0+$0xFFFFFFE0] =	vst v23  }
0x8b: {  	[tilespmem:v9+s9+$0x0] =	vst.idx.add.f32.msk $0xffff, v23;
	v9 =	vmov v30  }
0x8c: {  	v23 =	vld.idx.msk [tilespmem:v29+s8+$0x0], $0xffff;
	(erf) = vpow2.f32 v17;
	v17 =	vpop (erf)  }
0x8d: {  	v25 =	vld.idx.msk [tilespmem:v16+s12+$0x0], $0xffff;
	[tilespmem:s0+$0xFFFFFFF0] =	vst v17  }
0x8e: {  	v16 =	vadd.f32 v19, v18;
	v18 =	vld [tilespmem:s6+$0x20]  }
0x8f: {  	v19 =	vld.idx.msk [tilespmem:v22+s12+$0x0], $0xffff  }
0x90: {  	v22 =	vmul.f32 $2.000000030e-01, v16;
	v26 =	vld [tilespmem:s6+$0xFFFFFFD0];
	v27 =	vpop (erf)  }
0x91: {  	v29 =	vld [tilespmem:s6+$0xFFFFFFF0];
	[tilespmem:s0+$0x10] =	vst v27  }
0x92: {  	v16 =	vmax.f32 v16, v22;
	[tilespmem:v7+s9+$0x0] =	vst.idx.add.f32.msk $0xffff, v27;
	v7 =	vmov v28  }
0x93: {  	v16 =	vmul.f32 $1.442695020e+00, v16;
	v22 =	vadd.f32 v23, v25;
	v27 =	vld.idx.msk [tilespmem:v11+s8+$0x0], $0xffff  }
0x94: {  	v23 =	vld.idx.msk [tilespmem:v31+s12+$0x0], $0xffff  }
0x95: {  	v28 =	vmul.f32 $2.000000030e-01, v22;
	v25 =	vld.idx.msk [tilespmem:v14+s8+$0x0], $0xffff;
	v30 =	vpop (erf)  }
0x96: {  	v19 =	vadd.f32 v20, v19;
	[tilespmem:v12+s9+$0x0] =	vst.idx.add.f32.msk $0xffff, v17;
	v12 =	vmov v24  }
0x97: {  	v24 =	vld.idx.msk [tilespmem:v18+s12+$0x0], $0xffff;
	v18 =	vmax.f32 v22, v28;
	[tilespmem:s0+$0xFFFFFFD0] =	vst v30;
	s0 =	smov.u32 s4  }
0x98: {  	v17 =	vld.idx.msk [tilespmem:v26+s12+$0x0], $0xffff;
	v20 =	vmul.f32 $1.442695020e+00, v18  }
.Ltmp1:
0x99: {  	[tilespmem:v8+s9+$0x0] =	vst.idx.add.f32.msk $0xffff, v30;
	v8 =	vmov v21;
	(pc) =	sbr.rel @p0 .LBB2_4-.Ltmp1, $4  }
0x9a: {  	v18 =	vld.idx.msk [tilespmem:v29+s12+$0x0], $0xffff;
	(erf) = vpow2.f32 v20  }
0x9b: {  	v26 =	vmul.f32 $2.000000030e-01, v19;
	v23 =	vadd.f32 v25, v23;
	v22 =	vld.idx.msk [tilespmem:v9+s8+$0x0], $0xffff  }
0x9c: {  	v20 =	vld.idx.msk [tilespmem:v12+s8+$0x0], $0xffff  }
0x9d: {  	s7 =	sadd.s32 $0x80, s7;
	s6 =	sadd.s32 $0x80, s6;
	v19 =	vmax.f32 v19, v26;
	v25 =	vmul.f32 $2.000000030e-01, v23;
	v24 =	vadd.f32 v27, v24;
	v21 =	vld.idx.msk [tilespmem:v21+s8+$0x0], $0xffff  }
0x9e: {  	_ = 	snop  }
0x9f: {  	v23 =	vmax.f32 v23, v25  }
0xa0: {  	v25 =	vmul.f32 $2.000000030e-01, v24;
	v23 =	vmul.f32 $1.442695020e+00, v23  }
0xa1: {  	v15 =	vadd.f32 v22, v15  }
0xa2: {  	v22 =	vmax.f32 v24, v25;
	v18 =	vadd.f32 v20, v18;
	(erf) = vpow2.f32 v23  }
0xa3: {  	v23 =	vmul.f32 $2.000000030e-01, v15;
	v20 =	vmul.f32 $1.442695020e+00, v22  }
0xa4: {  	(erf) = vpow2.f32 v16;
	v16 =	vmul.f32 $2.000000030e-01, v18  }
0xa5: {  	v15 =	vmax.f32 v15, v23  }
0xa6: {  	(erf) = vpow2.f32 v20;
	v15 =	vmul.f32 $1.442695020e+00, v15;
	v16 =	vmax.f32 v18, v16  }
0xa7: {  	v17 =	vadd.f32 v21, v17  }
0xa8: {  	(erf) = vpow2.f32 v15;
	v15 =	vmul.f32 $1.442695020e+00, v16  }
0xa9: {  	v18 =	vmul.f32 $1.442695020e+00, v19;
	v19 =	vmul.f32 $2.000000030e-01, v17;
	v16 =	vpop (erf)  }
0xaa: {  	[tilespmem:s0+$0x30] =	vst v16;
	(erf) = vpow2.f32 v15  }
0xab: {  	v15 =	vmax.f32 v17, v19;
	[tilespmem:v13+s9+$0x0] =	vst.idx.add.f32.msk $0xffff, v16;
	v13 =	vpop (erf)  }
0xac: {  	v15 =	vmul.f32 $1.442695020e+00, v15;
	(erf) = vpow2.f32 v18;
	[tilespmem:s0+$0x0] =	vst v13  }
0xad: {  	[tilespmem:v14+s9+$0x0] =	vst.idx.add.f32.msk $0xffff, v13;
	v13 =	vpop (erf)  }
0xae: {  	(erf) = vpow2.f32 v15;
	[tilespmem:s0+$0xFFFFFFC0] =	vst v13  }
0xaf: {  	v14 =	vpop (erf);
	[tilespmem:v10+s9+$0x0] =	vst.idx.add.f32.msk $0xffff, v13  }
0xb0: {  	[tilespmem:s0+$0x20] =	vst v14  }
0xb1: {  	[tilespmem:v11+s9+$0x0] =	vst.idx.add.f32.msk $0xffff, v14;
	v10 =	vpop (erf)  }
0xb2: {  	[tilespmem:s0+$0xFFFFFFE0] =	vst v10  }
0xb3: {  	[tilespmem:v9+s9+$0x0] =	vst.idx.add.f32.msk $0xffff, v10;
	v9 =	vpop (erf)  }
0xb4: {  	[tilespmem:s0+$0xFFFFFFF0] =	vst v9  }
0xb5: {  	v10 =	vpop (erf);
	[tilespmem:v12+s9+$0x0] =	vst.idx.add.f32.msk $0xffff, v9  }
0xb6: {  	[tilespmem:s0+$0x10] =	vst v10  }
0xb7: {  	[tilespmem:v7+s9+$0x0] =	vst.idx.add.f32.msk $0xffff, v10;
	v7 =	vpop (erf)  }
0xb8: {  	[tilespmem:s0+$0xFFFFFFD0] =	vst v7  }
0xb9: {  	[tilespmem:v8+s9+$0x0] =	vst.idx.add.f32.msk $0xffff, v7  }
0xba: {  	v7 =	vld [tilespmem:$0x7600]  }
0xbb: {  	v8 =	vld [tilespmem:$0xC480];
	_ =	sdelay $0x6  }
0xbc: {  	v7 =	vld.idx.msk [tilespmem:v7+s12+$0x0], $0xffff  }
0xbd: {  	v9 =	vld.idx.msk [tilespmem:v8+s8+$0x0], $0xffff;
	_ =	sdelay $0x4  }
0xbe: {  	v7 =	vadd.f32 v9, v7;
	_ =	sdelay $0x1  }
0xbf: {  	v9 =	vmul.f32 $2.000000030e-01, v7;
	_ =	sdelay $0x1  }
0xc0: {  	v7 =	vmax.f32 v7, v9  }
0xc1: {  	v7 =	vmul.f32 $1.442695020e+00, v7;
	_ =	sdelay $0x1  }
0xc2: {  	(erf) = vpow2.f32 v7;
	_ =	sdelay $0x8  }
0xc3: {  	v7 =	vpop (erf)  }
0xc4: {  	[tilespmem:$0x11300] =	vst v7  }
0xc5: {  	s30 =	simm.s32 $0x3;
	[tilespmem:v8+s9+$0x0] =	vst.idx.add.f32.msk $0xffff, v7  }
0xc6: {  	_ =	swait.ge [sflag:s30], $0x2710  }
0xc7: {  	[sflag:s30] =	ssyncset.done $0x0  }
0xc8: {  	[sflag:s30] =	ssyncadd.s32 $0xFFFFD8F0  }
0xc9: {  	_ =	swait.ge [sflag:s30], $0x2710  }
0xca: {  	[sflag:s30] =	ssyncset.done $0x0  }
0xcb: {  	s31 =	simm.s32 $0x7680;
	[sflag:s30] =	ssyncadd.s32 $0xFFFFD8F0  }
0xcc: {  	s1 =	simm.s32 $0xC500;
	v8 =	vld [tilespmem:s31+$0xFFFFFF90]  }
0xcd: {  	v10 =	vld [tilespmem:s1+$0xFFFFFF90]  }
0xce: {  	v7 =	vld [tilespmem:s1+$0xFFFFFFE0]  }
0xcf: {  	v13 =	vld [tilespmem:s1+$0x0]  }
0xd0: {  	v11 =	vld [tilespmem:s1+$0xFFFFFFF0]  }
0xd1: {  	v12 =	vld [tilespmem:s31+$0xFFFFFFB0]  }
0xd2: {  	v9 =	vld [tilespmem:s1+$0xFFFFFFB0]  }
0xd3: {  	v16 =	vld [tilespmem:s31+$0x0]  }
0xd4: {  	v14 =	vld [tilespmem:s1+$0xFFFFFFD0]  }
0xd5: {  	v17 =	vld [tilespmem:s31+$0xFFFFFFD0]  }
0xd6: {  	v19 =	vld [tilespmem:s31+$0xFFFFFFE0]  }
0xd7: {  	v23 =	vld [tilespmem:s31+$0xFFFFFFF0]  }
0xd8: {  	v24 =	vld [tilespmem:s31+$0xFFFFFFA0]  }
0xd9: {  	v25 =	vld [tilespmem:s31+$0xFFFFFFC0]  }
0xda: {  	v18 =	vld.idx.msk [tilespmem:v7+s8+$0x0], $0xffff  }
0xdb: {  	v20 =	vld.idx.msk [tilespmem:v8+s12+$0x0], $0xffff  }
0xdc: {  	v22 =	vld.idx.msk [tilespmem:v13+s8+$0x0], $0xffff  }
0xdd: {  	v16 =	vld.idx.msk [tilespmem:v16+s12+$0x0], $0xffff  }
0xde: {  	v15 =	vld.idx.msk [tilespmem:v12+s12+$0x0], $0xffff  }
0xdf: {  	v8 =	vld [tilespmem:s1+$0xFFFFFFA0]  }
0xe0: {  	v21 =	vld.idx.msk [tilespmem:v10+s8+$0x0], $0xffff  }
0xe1: {  	v12 =	vld [tilespmem:s1+$0xFFFFFFC0]  }
0xe2: {  	v19 =	vld.idx.msk [tilespmem:v19+s12+$0x0], $0xffff;
	v16 =	vadd.f32 v22, v16  }
0xe3: {  	v26 =	vld.idx.msk [tilespmem:v17+s12+$0x0], $0xffff  }
0xe4: {  	v27 =	vld.idx.msk [tilespmem:v14+s8+$0x0], $0xffff;
	v17 =	vmul.f32 $2.000000030e-01, v16  }
0xe5: {  	v28 =	vld.idx.msk [tilespmem:v11+s8+$0x0], $0xffff  }
0xe6: {  	v29 =	vld.idx.msk [tilespmem:v23+s12+$0x0], $0xffff;
	v16 =	vmax.f32 v16, v17  }
0xe7: {  	v20 =	vadd.f32 v21, v20;
	v17 =	vld.idx.msk [tilespmem:v24+s12+$0x0], $0xffff;
	v24 =	vmul.f32 $1.442695020e+00, v16  }
0xe8: {  	v19 =	vadd.f32 v18, v19  }
0xe9: {  	v18 =	vld.idx.msk [tilespmem:v25+s12+$0x0], $0xffff;
	v23 =	vadd.f32 v27, v26;
	v21 =	vmul.f32 $2.000000030e-01, v20;
	(erf) = vpow2.f32 v24  }
0xea: {  	v22 =	vld.idx.msk [tilespmem:v9+s8+$0x0], $0xffff;
	v26 =	vmul.f32 $2.000000030e-01, v19  }
0xeb: {  	s4 =	simm.s32 $0x11380;
	s5 =	simm.s32 $0x2710;
	v25 =	vmul.f32 $2.000000030e-01, v23;
	v16 =	vmax.f32 v20, v21;
	v20 =	vld.idx.msk [tilespmem:v12+s8+$0x0], $0xffff  }
0xec: {  	s6 =	simm.s32 $0x7700;
	s7 =	simm.s32 $0xC580;
	s0 =	simm.s32 $0x11380;
	v19 =	vmax.f32 v19, v26;
	v21 =	vld.idx.msk [tilespmem:v8+s8+$0x0], $0xffff;
	v16 =	vmul.f32 $1.442695020e+00, v16;
	v24 =	vadd.f32 v28, v29  }
.LBB2_6:
0xed: {  	v26 =	vld [tilespmem:s6+$0xFFFFFF90];
	s5 =	sadd.s32 $0x80, s5;
	s4 =	sadd.s32 $0x80, s4  }
0xee: {  	v27 =	vld [tilespmem:s7+$0xFFFFFF90];
	p0 =	slt.u32 s5, $0x4D90;
	v23 =	vmax.f32 v23, v25;
	v25 =	vmul.f32 $2.000000030e-01, v24  }
0xef: {  	v28 =	vld [tilespmem:s7+$0xFFFFFFE0];
	v23 =	vmul.f32 $1.442695020e+00, v23  }
0xf0: {  	v15 =	vadd.f32 v22, v15;
	v29 =	vld [tilespmem:s7+$0x0];
	v22 =	vmax.f32 v24, v25  }
0xf1: {  	v24 =	vld [tilespmem:s7+$0xFFFFFFF0];
	v22 =	vmul.f32 $1.442695020e+00, v22;
	(erf) = vpow2.f32 v23  }
0xf2: {  	v17 =	vadd.f32 v21, v17;
	v21 =	vmul.f32 $2.000000030e-01, v15;
	v23 =	vld [tilespmem:s6+$0xFFFFFFB0];
	v25 =	vpop (erf)  }
0xf3: {  	v19 =	vmul.f32 $1.442695020e+00, v19;
	v18 =	vadd.f32 v20, v18;
	v30 =	vld [tilespmem:s7+$0xFFFFFFB0];
	[tilespmem:s0+$0x0] =	vst v25;
	(erf) = vpow2.f32 v16  }
0xf4: {  	v20 =	vmul.f32 $2.000000030e-01, v17;
	v15 =	vmax.f32 v15, v21;
	v16 =	vld [tilespmem:s6+$0x0];
	(erf) = vpow2.f32 v22  }
0xf5: {  	v15 =	vmul.f32 $1.442695020e+00, v15;
	v22 =	vmul.f32 $2.000000030e-01, v18;
	v21 =	vld [tilespmem:s7+$0xFFFFFFD0]  }
0xf6: {  	v17 =	vmax.f32 v17, v20;
	v31 =	vld [tilespmem:s6+$0xFFFFFFD0]  }
0xf7: {  	v17 =	vmul.f32 $1.442695020e+00, v17;
	v18 =	vmax.f32 v18, v22;
	v20 =	vld.idx.msk [tilespmem:v28+s8+$0x0], $0xffff;
	(erf) = vpow2.f32 v15  }
0xf8: {  	v15 =	vmul.f32 $1.442695020e+00, v18;
	v22 =	vld [tilespmem:s6+$0xFFFFFFE0]  }
0xf9: {  	[tilespmem:v13+s9+$0x0] =	vst.idx.add.f32.msk $0xffff, v25;
	v13 =	vmov v29  }
0xfa: {  	v18 =	vld.idx.msk [tilespmem:v26+s12+$0x0], $0xffff;
	(erf) = vpow2.f32 v15;
	v25 =	vpop (erf)  }
0xfb: {  	v15 =	vld.idx.msk [tilespmem:v23+s12+$0x0], $0xffff;
	[tilespmem:s0+$0xFFFFFFD0] =	vst v25  }
0xfc: {  	[tilespmem:v14+s9+$0x0] =	vst.idx.add.f32.msk $0xffff, v25;
	v23 =	vpop (erf);
	v14 =	vmov v21  }
0xfd: {  	v21 =	vld [tilespmem:s7+$0xFFFFFFA0];
	[tilespmem:s0+$0xFFFFFF90] =	vst v23;
	v25 =	vpop (erf)  }
0xfe: {  	[tilespmem:v10+s9+$0x0] =	vst.idx.add.f32.msk $0xffff, v23;
	(erf) = vpow2.f32 v19;
	v10 =	vmov v27  }
0xff: {  	v19 =	vld.idx.msk [tilespmem:v27+s8+$0x0], $0xffff;
	[tilespmem:s0+$0xFFFFFFF0] =	vst v25  }
0x100: {  	[tilespmem:v11+s9+$0x0] =	vst.idx.add.f32.msk $0xffff, v25;
	v23 =	vpop (erf);
	v11 =	vmov v24  }
0x101: {  	v24 =	vld [tilespmem:s7+$0xFFFFFFC0];
	[tilespmem:s0+$0xFFFFFFB0] =	vst v23  }
0x102: {  	[tilespmem:v9+s9+$0x0] =	vst.idx.add.f32.msk $0xffff, v23;
	v9 =	vmov v30  }
0x103: {  	v23 =	vld.idx.msk [tilespmem:v29+s8+$0x0], $0xffff;
	(erf) = vpow2.f32 v17;
	v17 =	vpop (erf)  }
0x104: {  	v25 =	vld.idx.msk [tilespmem:v16+s12+$0x0], $0xffff;
	[tilespmem:s0+$0xFFFFFFC0] =	vst v17  }
0x105: {  	v16 =	vadd.f32 v19, v18;
	v18 =	vld [tilespmem:s6+$0xFFFFFFF0]  }
0x106: {  	v19 =	vld.idx.msk [tilespmem:v22+s12+$0x0], $0xffff  }
0x107: {  	v22 =	vmul.f32 $2.000000030e-01, v16;
	v26 =	vld [tilespmem:s6+$0xFFFFFFA0];
	v27 =	vpop (erf)  }
0x108: {  	v29 =	vld [tilespmem:s6+$0xFFFFFFC0];
	[tilespmem:s0+$0xFFFFFFE0] =	vst v27  }
0x109: {  	v16 =	vmax.f32 v16, v22;
	[tilespmem:v7+s9+$0x0] =	vst.idx.add.f32.msk $0xffff, v27;
	v7 =	vmov v28  }
0x10a: {  	v16 =	vmul.f32 $1.442695020e+00, v16;
	v22 =	vadd.f32 v23, v25;
	v27 =	vld.idx.msk [tilespmem:v11+s8+$0x0], $0xffff  }
0x10b: {  	v23 =	vld.idx.msk [tilespmem:v31+s12+$0x0], $0xffff  }
0x10c: {  	v28 =	vmul.f32 $2.000000030e-01, v22;
	v25 =	vld.idx.msk [tilespmem:v14+s8+$0x0], $0xffff;
	v30 =	vpop (erf)  }
0x10d: {  	v19 =	vadd.f32 v20, v19;
	[tilespmem:v12+s9+$0x0] =	vst.idx.add.f32.msk $0xffff, v17;
	v12 =	vmov v24  }
0x10e: {  	v24 =	vld.idx.msk [tilespmem:v18+s12+$0x0], $0xffff;
	v18 =	vmax.f32 v22, v28;
	[tilespmem:s0+$0xFFFFFFA0] =	vst v30;
	s0 =	smov.u32 s4  }
0x10f: {  	v17 =	vld.idx.msk [tilespmem:v26+s12+$0x0], $0xffff;
	v20 =	vmul.f32 $1.442695020e+00, v18  }
.Ltmp2:
0x110: {  	[tilespmem:v8+s9+$0x0] =	vst.idx.add.f32.msk $0xffff, v30;
	v8 =	vmov v21;
	(pc) =	sbr.rel @p0 .LBB2_6-.Ltmp2, $4  }
0x111: {  	v18 =	vld.idx.msk [tilespmem:v29+s12+$0x0], $0xffff;
	(erf) = vpow2.f32 v20  }
0x112: {  	v26 =	vmul.f32 $2.000000030e-01, v19;
	v23 =	vadd.f32 v25, v23;
	v22 =	vld.idx.msk [tilespmem:v9+s8+$0x0], $0xffff  }
0x113: {  	v20 =	vld.idx.msk [tilespmem:v12+s8+$0x0], $0xffff  }
0x114: {  	s7 =	sadd.s32 $0x80, s7;
	s6 =	sadd.s32 $0x80, s6;
	v19 =	vmax.f32 v19, v26;
	v25 =	vmul.f32 $2.000000030e-01, v23;
	v24 =	vadd.f32 v27, v24;
	v21 =	vld.idx.msk [tilespmem:v21+s8+$0x0], $0xffff  }
0x115: {  	_ = 	snop  }
0x116: {  	v23 =	vmax.f32 v23, v25  }
0x117: {  	v23 =	vmul.f32 $1.442695020e+00, v23  }
0x118: {  	v54 =	vmul.f32 $2.000000030e-01, v24;
	v15 =	vadd.f32 v22, v15  }
0x119: {  	(erf) = vpow2.f32 v23  }
0x11a: {  	v55 =	vmax.f32 v24, v54;
	v18 =	vadd.f32 v20, v18;
	v56 =	vmul.f32 $2.000000030e-01, v15  }
0x11b: {  	v57 =	vmul.f32 $1.442695020e+00, v55;
	(erf) = vpow2.f32 v16  }
0x11c: {  	v58 =	vmul.f32 $2.000000030e-01, v18;
	v15 =	vmax.f32 v15, v56  }
0x11d: {  	(erf) = vpow2.f32 v57;
	v15 =	vmul.f32 $1.442695020e+00, v15  }
0x11e: {  	v17 =	vadd.f32 v21, v17;
	v16 =	vmax.f32 v18, v58  }
0x11f: {  	(erf) = vpow2.f32 v15;
	v15 =	vmul.f32 $1.442695020e+00, v16  }
0x120: {  	v59 =	vpop (erf);
	v61 =	vmul.f32 $2.000000030e-01, v17  }
0x121: {  	v60 =	vmul.f32 $1.442695020e+00, v19;
	[tilespmem:s0+$0x0] =	vst v59;
	(erf) = vpow2.f32 v15  }
0x122: {  	[tilespmem:v13+s9+$0x0] =	vst.idx.add.f32.msk $0xffff, v59;
	v15 =	vmax.f32 v17, v61;
	v13 =	vpop (erf)  }
0x123: {  	v15 =	vmul.f32 $1.442695020e+00, v15;
	(erf) = vpow2.f32 v60;
	[tilespmem:s0+$0xFFFFFFD0] =	vst v13  }
0x124: {  	[tilespmem:v14+s9+$0x0] =	vst.idx.add.f32.msk $0xffff, v13;
	v13 =	vpop (erf)  }
0x125: {  	(erf) = vpow2.f32 v15;
	[tilespmem:s0+$0xFFFFFF90] =	vst v13  }
0x126: {  	v14 =	vpop (erf);
	[tilespmem:v10+s9+$0x0] =	vst.idx.add.f32.msk $0xffff, v13  }
0x127: {  	[tilespmem:s0+$0xFFFFFFF0] =	vst v14  }
0x128: {  	[tilespmem:v11+s9+$0x0] =	vst.idx.add.f32.msk $0xffff, v14;
	v10 =	vpop (erf)  }
0x129: {  	[tilespmem:s0+$0xFFFFFFB0] =	vst v10  }
0x12a: {  	[tilespmem:v9+s9+$0x0] =	vst.idx.add.f32.msk $0xffff, v10;
	v9 =	vpop (erf)  }
0x12b: {  	[tilespmem:s0+$0xFFFFFFC0] =	vst v9  }
0x12c: {  	v10 =	vpop (erf);
	[tilespmem:v12+s9+$0x0] =	vst.idx.add.f32.msk $0xffff, v9  }
0x12d: {  	[tilespmem:s0+$0xFFFFFFE0] =	vst v10  }
0x12e: {  	[tilespmem:v7+s9+$0x0] =	vst.idx.add.f32.msk $0xffff, v10;
	v7 =	vpop (erf)  }
0x12f: {  	[tilespmem:s0+$0xFFFFFFA0] =	vst v7  }
0x130: {  	[tilespmem:v8+s9+$0x0] =	vst.idx.add.f32.msk $0xffff, v7  }
0x131: {  	v7 =	vld [tilespmem:$0x9D10]  }
0x132: {  	v8 =	vld [tilespmem:$0xEB90];
	_ =	sdelay $0x5  }
0x133: {  	s1 =	simm.s32 $0x0  }
0x134: {  	v7 =	vld.idx.msk [tilespmem:v7+s1+$0x0], $0xffff  }
0x135: {  	v9 =	vld.idx.msk [tilespmem:v8+s8+$0x0], $0xffff;
	_ =	sdelay $0x4  }
0x136: {  	v7 =	vadd.f32 v9, v7;
	_ =	sdelay $0x1  }
0x137: {  	v9 =	vmul.f32 $2.000000030e-01, v7;
	_ =	sdelay $0x1  }
0x138: {  	v7 =	vmax.f32 v7, v9  }
0x139: {  	v7 =	vmul.f32 $1.442695020e+00, v7;
	_ =	sdelay $0x1  }
0x13a: {  	(erf) = vpow2.f32 v7;
	_ =	sdelay $0x8  }
0x13b: {  	v7 =	vpop (erf)  }
0x13c: {  	[tilespmem:$0x13A10] =	vst v7  }
0x13d: {  	s0 =	rddreg [dreg:$0xf];
	[tilespmem:v8+s9+$0x0] =	vst.idx.add.f32.msk $0xffff, v7  }
0x13e: {  	[spmem:s0] =	stream.strided.scatter [tilespmem:s9], [sflag:$0x4], $0x2800, s11, s10, $0x38;
	[tilespmem:$0x1DF80] =	vst v63  }
0x13f: {  	_ =	swait.ge [sflag:s13], $0x2800  }
0x140: {  	[sflag:s13] =	ssyncset.done $0x0  }
0x141: {  	[sflag:s13] =	ssyncadd.s32 $0xFFFFD800  }
0x142: {  	s2 =	simm.s32 $0x1400;
	s3 =	simm.s32 $0x14000;
	[bflag:$0x0] =	sbarrier.arrive $0xFFFF  }
0x143: {  	s4 =	simm.s32 $0x18A80;
	s30 =	simm.s32 $0x0;
	s31 =	rddreg [dreg:$0x10]  }
0x144: {  	[tilespmem:s4], [sflag:$0x4] =	stream.strided.gather [spmem:s31], $0x2800, s3, s2, $0x38;
	[tilespmem:$0x1DF80] =	vst v63  }
0x145: {  	s1 =	sand.u32 $0x1C00, s1;
	s0 =	sand.u32 $0x40, s30;
	_ =	swait.ge [sflag:s13], $0x2800  }
0x146: {  	s19 =	sor.u32 $0x30, s0;
	s3 =	sadd.s32 $0x18A80, s1;
	[sflag:s13] =	ssyncset.done $0x0  }
0x147: {  	s4 =	sor.u32 s19, s3;
	[sflag:s13] =	ssyncadd.s32 $0xFFFFD800  }
0x148: {  	s20 =	sor.u32 $0x10, s0;
	v8 =	vld [tilespmem:s4+$0x0]  }
0x149: {  	s8 =	sor.u32 s20, s3;
	v9 =	vld [tilespmem:s4+$0x80]  }
0x14a: {  	v10 =	vld [tilespmem:s8+$0x0]  }
0x14b: {  	v11 =	vld [tilespmem:s4+$0x100]  }
0x14c: {  	s29 =	sor.u32 $0x20, s0;
	v12 =	vld [tilespmem:s8+$0x80]  }
0x14d: {  	s5 =	sor.u32 s29, s3;
	v13 =	vld [tilespmem:s4+$0x180]  }
0x14e: {  	v14 =	vld [tilespmem:s5+$0x0]  }
0x14f: {  	v15 =	vld [tilespmem:s4+$0x200]  }
0x150: {  	v16 =	vld [tilespmem:s5+$0x80]  }
0x151: {  	s6 =	sor.u32 s0, s3;
	v62 =	vld [tilespmem:s4+$0x280]  }
0x152: {  	v18 =	vld [tilespmem:s6+$0x0]  }
0x153: {  	v63 =	vld [tilespmem:s4+$0x300]  }
0x154: {  	v20 =	vld [tilespmem:s6+$0x80]  }
0x155: {  	s7 =	sadd.s32 $0x19E80, s1;
	v21 =	vld [tilespmem:s4+$0x380]  }
0x156: {  	s9 =	sor.u32 s19, s7;
	v22 =	vld [tilespmem:s8+$0x100]  }
0x157: {  	s10 =	sadd.s32 $0x19F00, s1;
	v23 =	vld [tilespmem:s9+$0x0]  }
0x158: {  	s13 =	sor.u32 s19, s10;
	v24 =	vld [tilespmem:s5+$0x100]  }
0x159: {  	s14 =	sadd.s32 $0x19F80, s1;
	v25 =	vld [tilespmem:s13+$0x0]  }
0x15a: {  	s15 =	sor.u32 s19, s14;
	v26 =	vld [tilespmem:s6+$0x100]  }
0x15b: {  	s16 =	sor.u32 $0x1A000, s1;
	v27 =	vld [tilespmem:s15+$0x0]  }
0x15c: {  	s17 =	sor.u32 s19, s16;
	v28 =	vld [tilespmem:s8+$0x180]  }
0x15d: {  	s18 =	sor.u32 $0x1A080, s1;
	v29 =	vld [tilespmem:s17+$0x0]  }
0x15e: {  	s21 =	sor.u32 s19, s18;
	v30 =	vld [tilespmem:s5+$0x180]  }
0x15f: {  	s11 =	sor.u32 $0x1A100, s1;
	v31 =	vld [tilespmem:s21+$0x0]  }
0x160: {  	s12 =	sor.u32 s19, s11;
	v32 =	vld [tilespmem:s6+$0x180]  }
0x161: {  	s2 =	sor.u32 $0x1A180, s1;
	v33 =	vld [tilespmem:s12+$0x0]  }
0x162: {  	s22 =	sor.u32 s19, s2;
	v34 =	vld [tilespmem:s8+$0x200]  }
0x163: {  	s1 =	sor.u32 $0x1A200, s1;
	v35 =	vld [tilespmem:s22+$0x0]  }
0x164: {  	s23 =	sor.u32 s19, s1;
	v36 =	vld [tilespmem:s5+$0x200]  }
0x165: {  	v37 =	vld [tilespmem:s23+$0x0]  }
0x166: {  	v38 =	vld [tilespmem:s6+$0x200]  }
0x167: {  	v39 =	vld [tilespmem:s8+$0x280]  }
0x168: {  	v40 =	vld [tilespmem:s5+$0x280]  }
0x169: {  	v41 =	vld [tilespmem:s6+$0x280]  }
0x16a: {  	v42 =	vld [tilespmem:s8+$0x300]  }
0x16b: {  	v43 =	vld [tilespmem:s5+$0x300]  }
0x16c: {  	v44 =	vld [tilespmem:s6+$0x300]  }
0x16d: {  	v45 =	vld [tilespmem:s8+$0x380]  }
0x16e: {  	v46 =	vld [tilespmem:s5+$0x380]  }
0x16f: {  	s24 =	sor.u32 s20, s7;
	v47 =	vld [tilespmem:s6+$0x380]  }
0x170: {  	s25 =	sor.u32 s29, s7;
	v48 =	vld [tilespmem:s24+$0x0]  }
0x171: {  	s26 =	sor.u32 s0, s7;
	s7 =	sor.u32 s29, s14;
	v49 =	vld [tilespmem:s25+$0x0]  }
0x172: {  	v7 =	vld [tilespmem:s7+$0x0]  }
0x173: {  	s28 =	sor.u32 s20, s10;
	v50 =	vld [tilespmem:s26+$0x0]  }
0x174: {  	s31 =	sor.u32 s29, s10;
	v51 =	vld [tilespmem:s28+$0x0]  }
0x175: {  	s3 =	sor.u32 s0, s10;
	v52 =	vld [tilespmem:s31+$0x0]  }
0x176: {  	s6 =	sor.u32 s20, s14;
	v53 =	vld [tilespmem:s3+$0x0]  }
0x177: {  	s8 =	sor.u32 s0, s14;
	v54 =	vld [tilespmem:s6+$0x0];
	[tilespmem:$0x1FFF0] =	vst v7  }
0x178: {  	s12 =	sor.u32 s20, s16;
	v8 =	vadd.f32 v9, v8;
	v9 =	vld [tilespmem:s8+$0x0]  }
0x179: {  	s14 =	sor.u32 s0, s16;
	v55 =	vld [tilespmem:s12+$0x0]  }
0x17a: {  	s13 =	sor.u32 s29, s16;
	s16 =	sor.u32 s29, s18;
	v56 =	vld [tilespmem:s14+$0x0]  }
0x17b: {  	s15 =	sor.u32 s20, s18;
	s17 =	sor.u32 s0, s18;
	s18 =	sor.u32 s20, s11;
	v57 =	vld [tilespmem:s16+$0x0];
	v8 =	vadd.f32 v11, v8  }
0x17c: {  	s21 =	sor.u32 s29, s11;
	v58 =	vld [tilespmem:s18+$0x0]  }
0x17d: {  	s22 =	sor.u32 s0, s11;
	v17 =	vld [tilespmem:s21+$0x0];
	v8 =	vadd.f32 v13, v8  }
0x17e: {  	s23 =	sor.u32 s20, s2;
	v59 =	vld [tilespmem:s22+$0x0]  }
0x17f: {  	s24 =	sor.u32 s29, s2;
	v19 =	vld [tilespmem:s23+$0x0];
	v8 =	vadd.f32 v15, v8  }
0x180: {  	s25 =	sor.u32 s20, s1;
	v60 =	vld [tilespmem:s24+$0x0]  }
0x181: {  	v61 =	vld [tilespmem:s25+$0x0];
	v8 =	vadd.f32 v62, v8  }
0x182: {  	v11 =	vld [tilespmem:s13+$0x0]  }
0x183: {  	v10 =	vadd.f32 v12, v10;
	v13 =	vld [tilespmem:s15+$0x0];
	v8 =	vadd.f32 v63, v8  }
0x184: {  	s2 =	sor.u32 s0, s2;
	s26 =	simm.s32 $0x40;
	s13 =	simm.s32 $0x200;
	v15 =	vld [tilespmem:s17+$0x0]  }
0x185: {  	s0 =	sor.u32 s0, s1;
	s31 =	sand.u32 $0x40, s26;
	v10 =	vadd.f32 v22, v10;
	v8 =	vadd.f32 v21, v8;
	v21 =	vld [tilespmem:s2+$0x0];
	s2 =	sand.u32 $0x1C00, s13  }
0x186: {  	s28 =	sor.u32 s29, s1;
	s4 =	sor.u32 $0x30, s31;
	v62 =	vld [tilespmem:s0+$0x0];
	s12 =	sadd.s32 $0x18A80, s2  }
0x187: {  	v10 =	vadd.f32 v28, v10;
	v8 =	vadd.f32 v23, v8;
	v23 =	vld [tilespmem:s28+$0x0];
	s18 =	sor.u32 s4, s12  }
0x188: {  	s0 =	sor.u32 $0x10, s31;
	v63 =	vld [tilespmem:s18+$0x80]  }
0x189: {  	v14 =	vadd.f32 v16, v14;
	v10 =	vadd.f32 v34, v10;
	s21 =	sor.u32 s0, s12;
	v7 =	vld [tilespmem:s18+$0x100]  }
0x18a: {  	v12 =	vld [tilespmem:s21+$0x80]  }
0x18b: {  	v14 =	vadd.f32 v24, v14;
	v10 =	vadd.f32 v39, v10;
	v22 =	vld [tilespmem:s18+$0x280]  }
0x18c: {  	s24 =	sadd.s32 $0x19F00, s2;
	v24 =	vld [tilespmem:s18+$0x300]  }
0x18d: {  	v14 =	vadd.f32 v30, v14;
	v10 =	vadd.f32 v42, v10;
	s25 =	sor.u32 s4, s24;
	v28 =	vld [tilespmem:s21+$0x100]  }
0x18e: {  	v30 =	vld [tilespmem:s25+$0x0];
	v8 =	vadd.f32 v25, v8  }
0x18f: {  	v14 =	vadd.f32 v36, v14;
	v10 =	vadd.f32 v45, v10;
	v25 =	vld [tilespmem:s18+$0x0]  }
0x190: {  	v36 =	vld [tilespmem:s21+$0x280];
	v8 =	vadd.f32 v27, v8  }
0x191: {  	v14 =	vadd.f32 v40, v14;
	v10 =	vadd.f32 v48, v10;
	v27 =	vld [tilespmem:s21+$0x0]  }
0x192: {  	v8 =	vadd.f32 v29, v8;
	v29 =	vadd.f32 v20, v18;
	v18 =	vld [tilespmem:s18+$0x180]  }
0x193: {  	v14 =	vadd.f32 v43, v14;
	v20 =	vld [tilespmem:s18+$0x200]  }
0x194: {  	s22 =	sadd.s32 $0x19E80, s2;
	v10 =	vadd.f32 v51, v10;
	v25 =	vadd.f32 v63, v25;
	v63 =	vld [tilespmem:$0x1FFF0]  }
0x195: {  	s11 =	sadd.s32 $0x19F80, s2;
	s23 =	sor.u32 s4, s22;
	v16 =	vadd.f32 v26, v29;
	v26 =	vld [tilespmem:s18+$0x380]  }
0x196: {  	v14 =	vadd.f32 v46, v14;
	s9 =	sor.u32 $0x1A080, s2;
	s28 =	sor.u32 s4, s11;
	v10 =	vadd.f32 v54, v10;
	v29 =	vld [tilespmem:s23+$0x0]  }
0x197: {  	s8 =	sor.u32 s4, s9;
	v8 =	vadd.f32 v31, v8;
	v31 =	vld [tilespmem:s28+$0x0];
	v16 =	vadd.f32 v32, v16  }
0x198: {  	v10 =	vadd.f32 v55, v10;
	s18 =	sor.u32 s0, s22;
	v7 =	vadd.f32 v7, v25;
	v25 =	vld [tilespmem:s8+$0x0]  }
0x199: {  	s10 =	sor.u32 $0x1A000, s2;
	v51 =	vld [tilespmem:s18+$0x0];
	v16 =	vadd.f32 v38, v16  }
0x19a: {  	s7 =	sor.u32 s4, s10;
	v14 =	vadd.f32 v49, v14;
	v10 =	vadd.f32 v13, v10;
	v32 =	vld [tilespmem:s21+$0x180]  }
0x19b: {  	s8 =	sor.u32 $0x20, s31;
	v8 =	vadd.f32 v33, v8;
	v33 =	vld [tilespmem:s7+$0x0];
	v16 =	vadd.f32 v41, v16  }
0x19c: {  	s5 =	sor.u32 $0x1A180, s2;
	v12 =	vadd.f32 v12, v27;
	s17 =	sor.u32 s8, s12;
	v7 =	vadd.f32 v18, v7;
	v18 =	vld [tilespmem:s21+$0x200]  }
0x19d: {  	s6 =	sor.u32 $0x1A200, s2;
	v14 =	vadd.f32 v52, v14;
	s7 =	sor.u32 $0x1A100, s2;
	s2 =	sor.u32 s31, s12;
	v39 =	vld [tilespmem:s17+$0x0];
	v16 =	vadd.f32 v44, v16  }
0x19e: {  	v10 =	vadd.f32 v58, v10;
	v13 =	vld [tilespmem:s2+$0x0];
	v12 =	vadd.f32 v28, v12  }
0x19f: {  	v40 =	vld [tilespmem:s17+$0x100];
	v7 =	vadd.f32 v20, v7;
	v16 =	vadd.f32 v47, v16  }
0x1a0: {  	v42 =	vld [tilespmem:s17+$0x180];
	v8 =	vadd.f32 v35, v8;
	v14 =	vadd.f32 v63, v14  }
0x1a1: {  	v43 =	vld [tilespmem:s2+$0x180];
	v7 =	vadd.f32 v22, v7;
	v16 =	vadd.f32 v50, v16  }
0x1a2: {  	v45 =	vld [tilespmem:s17+$0x280];
	v10 =	vadd.f32 v19, v10;
	v8 =	vadd.f32 v37, v8  }
0x1a3: {  	v46 =	vld [tilespmem:s17+$0x300];
	v7 =	vadd.f32 v24, v7;
	v16 =	vadd.f32 v53, v16  }
0x1a4: {  	v48 =	vld [tilespmem:s2+$0x280];
	v11 =	vadd.f32 v11, v14;
	v10 =	vadd.f32 v61, v10  }
0x1a5: {  	v49 =	vld [tilespmem:s2+$0x300];
	v7 =	vadd.f32 v26, v7;
	v9 =	vadd.f32 v9, v16  }
0x1a6: {  	s23 =	sor.u32 s8, s24;
	v14 =	vld [tilespmem:s17+$0x80];
	v12 =	vadd.f32 v32, v12;
	v11 =	vadd.f32 v57, v11  }
0x1a7: {  	s14 =	sor.u32 s4, s7;
	v54 =	vld [tilespmem:s23+$0x0];
	v7 =	vadd.f32 v29, v7;
	v9 =	vadd.f32 v56, v9  }
0x1a8: {  	v34 =	vld [tilespmem:s14+$0x0];
	v8 =	vadd.f32 $1.000000020e-16, v8;
	v10 =	vadd.f32 $1.000000020e-16, v10  }
0x1a9: {  	s15 =	sor.u32 s4, s5;
	v7 =	vadd.f32 v30, v7;
	v9 =	vadd.f32 v15, v9;
	v15 =	vld [tilespmem:s2+$0x80]  }
0x1aa: {  	v35 =	vld [tilespmem:s15+$0x0];
	v12 =	vadd.f32 v18, v12;
	v11 =	vadd.f32 v17, v11  }
0x1ab: {  	v41 =	vld [tilespmem:s2+$0x100];
	v14 =	vadd.f32 v14, v39;
	v7 =	vadd.f32 v31, v7  }
0x1ac: {  	s16 =	sor.u32 s4, s6;
	v38 =	vld [tilespmem:s21+$0x380];
	v12 =	vadd.f32 v36, v12;
	v11 =	vadd.f32 v60, v11  }
0x1ad: {  	v20 =	vld [tilespmem:s16+$0x0];
	v14 =	vadd.f32 v40, v14;
	v7 =	vadd.f32 v33, v7  }
0x1ae: {  	v44 =	vld [tilespmem:s17+$0x200];
	v11 =	vadd.f32 v23, v11;
	v13 =	vadd.f32 v15, v13  }
0x1af: {  	v14 =	vadd.f32 v42, v14;
	v7 =	vadd.f32 v25, v7;
	v15 =	vld [tilespmem:s2+$0x200]  }
0x1b0: {  	v22 =	vld [tilespmem:s21+$0x300];
	s21 =	sor.u32 s8, s22;
	v9 =	vadd.f32 v59, v9;
	v13 =	vadd.f32 v41, v13  }
0x1b1: {  	s14 =	sor.u32 s0, s9;
	v52 =	vld [tilespmem:s21+$0x0];
	(erf) = vrcp.f32 v8;
	v8 =	vadd.f32 $1.000000020e-16, v11;
	v7 =	vadd.f32 v34, v7  }
0x1b2: {  	v57 =	vld [tilespmem:s14+$0x0];
	v9 =	vadd.f32 v21, v9;
	v13 =	vadd.f32 v43, v13  }
0x1b3: {  	v47 =	vld [tilespmem:s17+$0x380];
	v14 =	vadd.f32 v44, v14;
	v7 =	vadd.f32 v35, v7  }
0x1b4: {  	s1 =	sor.u32 s31, s22;
	v50 =	vld [tilespmem:s2+$0x380];
	v9 =	vadd.f32 v62, v9;
	v13 =	vadd.f32 v15, v13  }
0x1b5: {  	s22 =	sor.u32 s0, s24;
	s24 =	sor.u32 s31, s24;
	(erf) = vrcp.f32 v10;
	v53 =	vld [tilespmem:s1+$0x0];
	v10 =	vadd.f32 v45, v14;
	v7 =	vadd.f32 v20, v7  }
0x1b6: {  	s25 =	sor.u32 s0, s11;
	v11 =	vld [tilespmem:s24+$0x0];
	v9 =	vadd.f32 $1.000000020e-16, v9;
	v13 =	vadd.f32 v48, v13  }
0x1b7: {  	v12 =	vadd.f32 v22, v12;
	(erf) = vrcp.f32 v8;
	v8 =	vld [tilespmem:s25+$0x0];
	v7 =	vadd.f32 $1.000000020e-16, v7  }
0x1b8: {  	s12 =	sor.u32 s31, s10;
	(erf) = vrcp.f32 v9;
	v9 =	vadd.f32 v46, v10;
	v15 =	vld [tilespmem:s22+$0x0];
	v10 =	vadd.f32 v49, v13  }
0x1b9: {  	s28 =	sor.u32 s8, s11;
	v56 =	vld [tilespmem:s12+$0x0];
	(erf) = vrcp.f32 v7;
	v7 =	vadd.f32 v38, v12  }
0x1ba: {  	v14 =	vld [tilespmem:s28+$0x0];
	s2 =	sor.u32 s31, s11;
	v9 =	vadd.f32 v47, v9;
	v10 =	vadd.f32 v50, v10  }
0x1bb: {  	s3 =	sor.u32 s0, s10;
	v7 =	vadd.f32 v51, v7;
	v13 =	vld [tilespmem:s2+$0x0]  }
0x1bc: {  	s11 =	sor.u32 s8, s10;
	v12 =	vld [tilespmem:s3+$0x0];
	v9 =	vadd.f32 v52, v9;
	v10 =	vadd.f32 v53, v10  }
0x1bd: {  	s18 =	sor.u32 s31, s9;
	s15 =	sand.u32 $0x380, s30;
	v55 =	vld [tilespmem:s11+$0x0];
	v7 =	vadd.f32 v15, v7  }
0x1be: {  	s16 =	sor.u32 s8, s9;
	s17 =	sadd.s32 $0x1B280, s15;
	v59 =	vld [tilespmem:s18+$0x0];
	v9 =	vadd.f32 v54, v9;
	v10 =	vadd.f32 v11, v10  }
0x1bf: {  	s23 =	sor.u32 s0, s7;
	s30 =	sor.u32 s8, s5;
	v58 =	vpop (erf);
	s22 =	sor.u32 s19, s17;
	v15 =	vld [tilespmem:s16+$0x0];
	v60 =	vadd.f32 v8, v7  }
0x1c0: {  	s9 =	sor.u32 s31, s6;
	s21 =	sor.u32 s20, s17;
	s24 =	sor.u32 s8, s7;
	[tilespmem:s22+$0x0] =	vst v58;
	v7 =	vld [tilespmem:s23+$0x0];
	v14 =	vadd.f32 v14, v9;
	v11 =	vpop (erf);
	v10 =	vadd.f32 v13, v10  }
0x1c1: {  	s1 =	sor.u32 s29, s17;
	s25 =	sand.u32 $0x380, s26;
	s28 =	sor.u32 s31, s7;
	v8 =	vld [tilespmem:s24+$0x0];
	v61 =	vpop (erf);
	[tilespmem:s21+$0x0] =	vst v11;
	v11 =	vadd.f32 v12, v60  }
0x1c2: {  	s29 =	sor.u32 s0, s5;
	s19 =	simm.s32 $0x1B280;
	s2 =	sadd.s32 $0x1B280, s25;
	v9 =	vld [tilespmem:s28+$0x0];
	v14 =	vadd.f32 v55, v14;
	v62 =	vpop (erf);
	[tilespmem:s1+$0x0] =	vst v61;
	v63 =	vadd.f32 v56, v10  }
0x1c3: {  	s10 =	sor.u32 s8, s6;
	s11 =	sor.u32 s0, s6;
	s4 =	sor.u32 s4, s2;
	v12 =	vpop (erf);
	v13 =	vadd.f32 v57, v11;
	v11 =	vld [tilespmem:s30+$0x0];
	[tilespmem:s19+$0x0] =	vst v62  }
0x1c4: {  	s25 =	sor.u32 s31, s5;
	s6 =	sor.u32 s0, s2;
	s5 =	sor.u32 s8, s2;
	v14 =	vadd.f32 v15, v14;
	[tilespmem:s4+$0x0] =	vst v12;
	v10 =	vld [tilespmem:s29+$0x0];
	v12 =	vadd.f32 v59, v63  }
.LBB2_8:
0x1c5: {  	s26 =	sadd.s32 $0x40, s26;
	v15 =	vld [tilespmem:s25+$0x0];
	s13 =	sadd.s32 $0x200, s13  }
0x1c6: {  	s7 =	sand.u32 $0x40, s26;
	s8 =	sand.u32 $0x1C00, s13;
	v7 =	vadd.f32 v7, v13;
	v13 =	vld [tilespmem:s11+$0x0]  }
0x1c7: {  	s1 =	sadd.s32 $0x18A80, s8;
	s20 =	sor.u32 $0x20, s7;
	v9 =	vadd.f32 v9, v12;
	v12 =	vld [tilespmem:s10+$0x0]  }
0x1c8: {  	s0 =	sor.u32 $0x30, s7;
	s31 =	sor.u32 s20, s1;
	v8 =	vadd.f32 v8, v14;
	v14 =	vld [tilespmem:s9+$0x0]  }
0x1c9: {  	s2 =	sor.u32 s0, s1;
	v16 =	vld [tilespmem:s31+$0x0]  }
0x1ca: {  	v7 =	vadd.f32 v10, v7;
	v10 =	vld [tilespmem:s2+$0x0]  }
0x1cb: {  	v8 =	vadd.f32 v11, v8;
	v11 =	vld [tilespmem:s2+$0x80]  }
0x1cc: {  	s4 =	sor.u32 $0x10, s7;
	v17 =	vld [tilespmem:s31+$0x100]  }
0x1cd: {  	s30 =	sor.u32 s4, s1;
	v9 =	vadd.f32 v15, v9;
	v7 =	vadd.f32 v13, v7;
	v13 =	vld [tilespmem:s2+$0x100]  }
0x1ce: {  	v15 =	vld [tilespmem:s30+$0x0];
	v8 =	vadd.f32 v12, v8  }
0x1cf: {  	v9 =	vadd.f32 v14, v9;
	v14 =	vld [tilespmem:s2+$0x180];
	v7 =	vadd.f32 $1.000000020e-16, v7  }
0x1d0: {  	v12 =	vld [tilespmem:s30+$0x80];
	v8 =	vadd.f32 $1.000000020e-16, v8;
	v10 =	vadd.f32 v11, v10  }
0x1d1: {  	s29 =	sor.u32 s7, s1;
	v9 =	vadd.f32 $1.000000020e-16, v9;
	(erf) = vrcp.f32 v7;
	v7 =	vld [tilespmem:s2+$0x200]  }
0x1d2: {  	v58 =	vld [tilespmem:s29+$0x100];
	(erf) = vrcp.f32 v8;
	v10 =	vadd.f32 v13, v10  }
0x1d3: {  	v11 =	vld [tilespmem:s2+$0x280];
	(erf) = vrcp.f32 v9  }
0x1d4: {  	v13 =	vld [tilespmem:s2+$0x300];
	v10 =	vadd.f32 v14, v10  }
0x1d5: {  	v9 =	vadd.f32 v12, v15;
	v12 =	vld [tilespmem:s29+$0x0]  }
0x1d6: {  	v14 =	vld [tilespmem:s29+$0x80];
	v7 =	vadd.f32 v7, v10  }
0x1d7: {  	v10 =	vld [tilespmem:s2+$0x380]  }
0x1d8: {  	s11 =	sadd.s32 $0x19E80, s8;
	v8 =	vld [tilespmem:s31+$0x80];
	v7 =	vadd.f32 v11, v7  }
0x1d9: {  	s16 =	sadd.s32 $0x19F00, s8;
	s15 =	sor.u32 s0, s11;
	v15 =	vld [tilespmem:s30+$0x100]  }
0x1da: {  	s22 =	sadd.s32 $0x19F80, s8;
	s21 =	sor.u32 s0, s16;
	v11 =	vld [tilespmem:s15+$0x0];
	v57 =	vpop (erf);
	v7 =	vadd.f32 v13, v7  }
0x1db: {  	s23 =	sor.u32 s0, s22;
	v12 =	vadd.f32 v14, v12;
	v14 =	vld [tilespmem:s21+$0x0];
	[tilespmem:s6+$0x0] =	vst v57;
	v13 =	vpop (erf)  }
0x1dc: {  	s19 =	sadd.s32 $0x40, s19;
	[tilespmem:s5+$0x0] =	vst v13;
	v13 =	vpop (erf);
	v7 =	vadd.f32 v10, v7;
	v10 =	vld [tilespmem:s23+$0x0]  }
0x1dd: {  	s24 =	sor.u32 $0x1A000, s8;
	[tilespmem:s19+$0x0] =	vst v13;
	v13 =	vld [tilespmem:s30+$0x180]  }
0x1de: {  	s25 =	sor.u32 s0, s24;
	v9 =	vadd.f32 v15, v9;
	v15 =	vld [tilespmem:s31+$0x180]  }
0x1df: {  	s18 =	sor.u32 s20, s16;
	v7 =	vadd.f32 v11, v7;
	v11 =	vld [tilespmem:s25+$0x0]  }
0x1e0: {  	s3 =	sor.u32 $0x1A080, s8;
	s17 =	sor.u32 s4, s16;
	[dreg:$0x6] =	wrdreg s18;
	v59 =	vld [tilespmem:s29+$0x180]  }
0x1e1: {  	s18 =	sor.u32 s4, s22;
	s9 =	sor.u32 s0, s3;
	s12 =	sor.u32 s4, s11;
	v60 =	vld [tilespmem:s29+$0x200]  }
0x1e2: {  	s10 =	sor.u32 $0x1A100, s8;
	[dreg:$0x7] =	wrdreg s12;
	s12 =	sor.u32 s4, s3;
	v61 =	vld [tilespmem:s29+$0x300];
	v7 =	vadd.f32 v14, v7  }
0x1e3: {  	v8 =	vadd.f32 v8, v16;
	s15 =	sor.u32 s20, s3;
	s5 =	sor.u32 s20, s22;
	s22 =	sor.u32 s7, s22;
	v14 =	vld [tilespmem:s9+$0x0]  }
0x1e4: {  	s6 =	sor.u32 s7, s16;
	s16 =	sor.u32 s7, s3;
	s3 =	sor.u32 s0, s10;
	v62 =	vld [tilespmem:s22+$0x0];
	v7 =	vadd.f32 v10, v7  }
0x1e5: {  	s14 =	sor.u32 s20, s11;
	s1 =	sor.u32 s7, s11;
	s11 =	sor.u32 $0x1A180, s8;
	v8 =	vadd.f32 v17, v8;
	v10 =	vld [tilespmem:s3+$0x0]  }
0x1e6: {  	[dreg:$0x8] =	wrdreg s17;
	s17 =	sor.u32 s0, s11;
	v9 =	vadd.f32 v13, v9;
	v13 =	vld [tilespmem:s30+$0x200];
	v7 =	vadd.f32 v11, v7  }
0x1e7: {  	s8 =	sor.u32 $0x1A200, s8;
	v11 =	vld [tilespmem:s17+$0x0]  }
0x1e8: {  	v8 =	vadd.f32 v15, v8;
	v15 =	vld [tilespmem:s31+$0x200];
	s17 =	sor.u32 s0, s8;
	v7 =	vadd.f32 v14, v7  }
0x1e9: {  	v14 =	vld [tilespmem:s17+$0x0]  }
0x1ea: {  	v7 =	vadd.f32 v10, v7;
	v10 =	vld [tilespmem:s30+$0x280]  }
0x1eb: {  	v12 =	vadd.f32 v58, v12;
	v9 =	vadd.f32 v13, v9;
	v13 =	vld [tilespmem:s31+$0x280]  }
0x1ec: {  	v7 =	vadd.f32 v11, v7;
	v11 =	vld [tilespmem:s29+$0x280]  }
0x1ed: {  	[dreg:$0x4] =	wrdreg s14;
	v12 =	vadd.f32 v59, v12;
	v8 =	vadd.f32 v15, v8;
	v15 =	vld [tilespmem:s30+$0x300]  }
0x1ee: {  	[dreg:$0x5] =	wrdreg s1;
	v7 =	vadd.f32 v14, v7;
	v14 =	vld [tilespmem:s31+$0x300]  }
0x1ef: {  	s14 =	sor.u32 s20, s10;
	v12 =	vadd.f32 v60, v12;
	v9 =	vadd.f32 v10, v9;
	v10 =	vld [tilespmem:s30+$0x380];
	s30 =	rddreg [dreg:$0x7]  }
0x1f0: {  	s1 =	sor.u32 s4, s11;
	s2 =	sor.u32 s4, s10;
	s23 =	sor.u32 s7, s10;
	v8 =	vadd.f32 v13, v8;
	v7 =	vadd.f32 $1.000000020e-16, v7;
	v13 =	vld [tilespmem:s30+$0x0]  }
0x1f1: {  	s10 =	sor.u32 s20, s8;
	s25 =	sor.u32 s7, s11;
	s9 =	sor.u32 s7, s8;
	v11 =	vadd.f32 v11, v12;
	v12 =	vld [tilespmem:s31+$0x380]  }
0x1f2: {  	s3 =	sor.u32 s20, s11;
	s11 =	sor.u32 s4, s8;
	s8 =	rddreg [dreg:$0x5];
	(erf) = vrcp.f32 v7;
	v7 =	vld [tilespmem:s29+$0x380]  }
0x1f3: {  	v9 =	vadd.f32 v15, v9;
	s31 =	rddreg [dreg:$0x4];
	v15 =	vld [tilespmem:s8+$0x0]  }
0x1f4: {  	s17 =	rddreg [dreg:$0x8];
	v8 =	vadd.f32 v14, v8;
	v14 =	vld [tilespmem:s31+$0x0]  }
0x1f5: {  	v11 =	vadd.f32 v61, v11;
	v9 =	vadd.f32 v10, v9;
	v10 =	vld [tilespmem:s17+$0x0]  }
0x1f6: {  	v8 =	vadd.f32 v12, v8;
	v12 =	vld [tilespmem:s6+$0x0]  }
0x1f7: {  	s29 =	rddreg [dreg:$0x6];
	v9 =	vadd.f32 v13, v9;
	v13 =	vld [tilespmem:s18+$0x0];
	v7 =	vadd.f32 v7, v11  }
0x1f8: {  	v11 =	vld [tilespmem:s29+$0x0]  }
0x1f9: {  	s28 =	sor.u32 s4, s24;
	v8 =	vadd.f32 v14, v8;
	v14 =	vld [tilespmem:s5+$0x0];
	v7 =	vadd.f32 v15, v7  }
0x1fa: {  	s21 =	sor.u32 s20, s24;
	s24 =	sor.u32 s7, s24;
	v9 =	vadd.f32 v10, v9;
	v10 =	vld [tilespmem:s28+$0x0]  }
0x1fb: {  	v7 =	vadd.f32 v12, v7;
	v12 =	vld [tilespmem:s24+$0x0]  }
0x1fc: {  	s30 =	sand.u32 $0x380, s26;
	v9 =	vadd.f32 v13, v9;
	v13 =	vld [tilespmem:s12+$0x0]  }
0x1fd: {  	s31 =	sadd.s32 $0x1B280, s30;
	v8 =	vadd.f32 v11, v8;
	v11 =	vld [tilespmem:s21+$0x0]  }
0x1fe: {  	v63 =	vld [tilespmem:s16+$0x0];
	s0 =	sor.u32 s0, s31;
	v15 =	vpop (erf)  }
0x1ff: {  	p0 =	slt.u32 s26, $0x240;
	[tilespmem:s0+$0x0] =	vst v15;
	v15 =	vld [tilespmem:s15+$0x0];
	v8 =	vadd.f32 v14, v8;
	v14 =	vadd.f32 v62, v7  }
.Ltmp3:
0x200: {  	v10 =	vadd.f32 v10, v9;
	v7 =	vld [tilespmem:s2+$0x0];
	(pc) =	sbr.rel @p0 .LBB2_8-.Ltmp3, $4  }
0x201: {  	v9 =	vld [tilespmem:s23+$0x0];
	v12 =	vadd.f32 v12, v14  }
0x202: {  	v13 =	vadd.f32 v13, v10;
	v10 =	vld [tilespmem:s1+$0x0];
	v11 =	vadd.f32 v11, v8  }
0x203: {  	v8 =	vld [tilespmem:s14+$0x0]  }
0x204: {  	s6 =	sor.u32 s4, s31;
	s5 =	sor.u32 s20, s31;
	v12 =	vadd.f32 v63, v12;
	v14 =	vadd.f32 v15, v11;
	v11 =	vld [tilespmem:s3+$0x0]  }
0x205: {  	v15 =	vld [tilespmem:s25+$0x0]  }
0x206: {  	v16 =	vld [tilespmem:s11+$0x0]  }
0x207: {  	v7 =	vadd.f32 v7, v13;
	v49 =	vld [tilespmem:s10+$0x0]  }
0x208: {  	v50 =	vld [tilespmem:s9+$0x0];
	v8 =	vadd.f32 v8, v14  }
0x209: {  	v9 =	vadd.f32 v9, v12;
	v7 =	vadd.f32 v10, v7  }
0x20a: {  	v8 =	vadd.f32 v11, v8  }
0x20b: {  	v9 =	vadd.f32 v15, v9;
	v7 =	vadd.f32 v16, v7  }
0x20c: {  	v8 =	vadd.f32 v49, v8  }
0x20d: {  	v9 =	vadd.f32 v50, v9;
	v7 =	vadd.f32 $1.000000020e-16, v7  }
0x20e: {  	v8 =	vadd.f32 $1.000000020e-16, v8  }
0x20f: {  	v9 =	vadd.f32 $1.000000020e-16, v9;
	(erf) = vrcp.f32 v7  }
0x210: {  	(erf) = vrcp.f32 v8  }
0x211: {  	(erf) = vrcp.f32 v9;
	_ =	sdelay $0x6  }
0x212: {  	v7 =	vpop (erf)  }
0x213: {  	[tilespmem:s6+$0x0] =	vst v7;
	v7 =	vpop (erf)  }
0x214: {  	s0 =	sadd.s32 $0x40, s19;
	[tilespmem:s5+$0x0] =	vst v7;
	v7 =	vpop (erf)  }
0x215: {  	[tilespmem:s0+$0x0] =	vst v7  }
0x216: {  	s1 =	simm.s32 $0x1B280;
	s13 =	simm.s32 $0x4;
	s0 =	rddreg [dreg:$0x11]  }
0x217: {  	[spmem:s0] =	stream.linear.scatter [tilespmem:s1], [sflag:$0x4], $0x280, $0x38;
	[tilespmem:$0x1DF80] =	vst v63  }
0x218: {  	_ =	swait.ge [sflag:s13], $0x280  }
0x219: {  	[sflag:s13] =	ssyncset.done $0x0  }
0x21a: {  	[sflag:s13] =	ssyncadd.s32 $0xFFFFFD80  }
0x21b: {  	[bflag:$0x0] =	sbarrier.arrive $0xFFFF  }
0x21c: {  	s9 =	simm.s32 $0x13A80;
	s30 =	rddreg [dreg:$0x2]  }
0x21d: {  	[tilespmem:s9], [sflag:$0x4] =	stream.linear.gather [spmem:s30], $0x2800, $0x38;
	[tilespmem:$0x1DF80] =	vst v63  }
0x21e: {  	_ =	swait.ge [sflag:s13], $0x2800  }
0x21f: {  	[sflag:s13] =	ssyncset.done $0x0  }
0x220: {  	s31 =	simm.s32 $0x0;
	[sflag:s13] =	ssyncadd.s32 $0xFFFFD800  }
0x221: {  	v7 =	vld.idx.msk [tilespmem:v4+s31+$0x30 ss:$0x1], $0xffff  }
0x222: {  	v8 =	vld.idx.msk [tilespmem:v1+s31+$0x0 ss:$0x1], $0xffff  }
0x223: {  	v9 =	vld.idx.msk [tilespmem:v4+s31+$0xFFFFFFD0 ss:$0x1], $0xffff  }
0x224: {  	v10 =	vld.idx.msk [tilespmem:v4+s31+$0xFFFFFFE0 ss:$0x1], $0xffff  }
0x225: {  	v11 =	vld.idx.msk [tilespmem:v4+s31+$0xFFFFFFF0 ss:$0x1], $0xffff  }
0x226: {  	v51 =	vld.idx.msk [tilespmem:v4+s31+$0x0 ss:$0x1], $0xffff  }
0x227: {  	v52 =	vld.idx.msk [tilespmem:v3+s31+$0x30 ss:$0x1], $0xffff  }
0x228: {  	v53 =	vld.idx.msk [tilespmem:v5+s31+$0x30 ss:$0x1], $0xffff  }
0x229: {  	v54 =	vld.idx.msk [tilespmem:v4+s31+$0x10 ss:$0x1], $0xffff  }
0x22a: {  	v55 =	vld.idx.msk [tilespmem:v4+s31+$0x20 ss:$0x1], $0xffff  }
0x22b: {  	v57 =	vld.idx.msk [tilespmem:v0+s31+$0x0 ss:$0x1], $0xffff  }
0x22c: {  	v58 =	vld.idx.msk [tilespmem:v2+s31+$0x0 ss:$0x1], $0xffff  }
0x22d: {  	v59 =	vld.idx.msk [tilespmem:v5+s31+$0xFFFFFFD0 ss:$0x1], $0xffff  }
0x22e: {  	v17 =	vld.idx.msk [tilespmem:v5+s31+$0xFFFFFFE0 ss:$0x1], $0xffff  }
0x22f: {  	v18 =	vld.idx.msk [tilespmem:v3+s31+$0xFFFFFFD0 ss:$0x1], $0xffff  }
0x230: {  	v19 =	vld.idx.msk [tilespmem:v5+s31+$0xFFFFFFF0 ss:$0x1], $0xffff  }
0x231: {  	v20 =	vld.idx.msk [tilespmem:v5+s31+$0x0 ss:$0x1], $0xffff  }
0x232: {  	v60 =	vld.idx.msk [tilespmem:v3+s31+$0xFFFFFFE0 ss:$0x1], $0xffff  }
0x233: {  	v61 =	vld.idx.msk [tilespmem:v3+s31+$0xFFFFFFF0 ss:$0x1], $0xffff  }
0x234: {  	v62 =	vld.idx.msk [tilespmem:v3+s31+$0x0 ss:$0x1], $0xffff  }
0x235: {  	v21 =	vld.idx.msk [tilespmem:v5+s31+$0x10 ss:$0x1], $0xffff  }
0x236: {  	v7 =	vld.idx.msk [tilespmem:v7+s9+$0x0], $0xffff  }
0x237: {  	v8 =	vld.idx.msk [tilespmem:v8+s9+$0x0], $0xffff  }
0x238: {  	v63 =	vld.idx.msk [tilespmem:v5+s31+$0x20 ss:$0x1], $0xffff  }
0x239: {  	v9 =	vld.idx.msk [tilespmem:v9+s9+$0x0], $0xffff  }
0x23a: {  	v10 =	vld.idx.msk [tilespmem:v10+s9+$0x0], $0xffff  }
0x23b: {  	v11 =	vld.idx.msk [tilespmem:v11+s9+$0x0], $0xffff;
	v7 =	vmul.f32 v53, v7  }
0x23c: {  	s3 =	simm.s32 $0x16280;
	v12 =	vld.idx.msk [tilespmem:v51+s9+$0x0], $0xffff;
	v8 =	vmul.f32 v58, v8  }
0x23d: {  	[tilespmem:v52+s3+$0x0] =	vst.idx.add.f32.msk $0xffff, v7  }
0x23e: {  	[tilespmem:v57+s3+$0x0] =	vst.idx.add.f32.msk $0xffff, v8  }
0x23f: {  	v8 =	vmul.f32 v59, v9;
	v9 =	vld.idx.msk [tilespmem:v3+s31+$0x10 ss:$0x1], $0xffff  }
0x240: {  	v10 =	vmul.f32 v17, v10;
	v7 =	vld.idx.msk [tilespmem:v54+s9+$0x0], $0xffff  }
0x241: {  	v56 =	vld.idx.msk [tilespmem:v55+s9+$0x0], $0xffff;
	v11 =	vmul.f32 v19, v11  }
0x242: {  	v12 =	vmul.f32 v20, v12;
	[tilespmem:v60+s3+$0x0] =	vst.idx.add.f32.msk $0xffff, v10  }
0x243: {  	[tilespmem:v61+s3+$0x0] =	vst.idx.add.f32.msk $0xffff, v11  }
0x244: {  	[tilespmem:v62+s3+$0x0] =	vst.idx.add.f32.msk $0xffff, v12  }
0x245: {  	[tilespmem:v18+s3+$0x0] =	vst.idx.add.f32.msk $0xffff, v8;
	v10 =	vmul.f32 v21, v7  }
0x246: {  	s0 =	simm.s32 $0x0;
	s1 =	simm.s32 $0x200;
	v8 =	vld.idx.msk [tilespmem:v3+s31+$0x20 ss:$0x1], $0xffff;
	v7 =	vmul.f32 v63, v56  }
.LBB2_10:
0x247: {  	s2 =	sshra.s32 s1, $0x2;
	s0 =	sadd.s32 $0x80, s0;
	[tilespmem:v9+s3+$0x0] =	vst.idx.add.f32.msk $0xffff, v10  }
0x248: {  	v9 =	vld.idx.msk [tilespmem:v4+s2+$0x30 ss:$0x1], $0xffff;
	p0 =	slt.u32 s0, $0x2680  }
0x249: {  	v10 =	vld.idx.msk [tilespmem:v1+s2+$0x0 ss:$0x1], $0xffff  }
0x24a: {  	v11 =	vld.idx.msk [tilespmem:v4+s2+$0xFFFFFFD0 ss:$0x1], $0xffff  }
0x24b: {  	v12 =	vld.idx.msk [tilespmem:v4+s2+$0xFFFFFFE0 ss:$0x1], $0xffff  }
0x24c: {  	v13 =	vld.idx.msk [tilespmem:v4+s2+$0xFFFFFFF0 ss:$0x1], $0xffff  }
0x24d: {  	v14 =	vld.idx.msk [tilespmem:v4+s2+$0x0 ss:$0x1], $0xffff  }
0x24e: {  	v15 =	vld.idx.msk [tilespmem:v3+s2+$0x30 ss:$0x1], $0xffff  }
0x24f: {  	v16 =	vld.idx.msk [tilespmem:v5+s2+$0x30 ss:$0x1], $0xffff  }
0x250: {  	v9 =	vld.idx.msk [tilespmem:v9+s9+$0x0], $0xffff  }
0x251: {  	v17 =	vld.idx.msk [tilespmem:v4+s2+$0x10 ss:$0x1], $0xffff  }
0x252: {  	v18 =	vld.idx.msk [tilespmem:v4+s2+$0x20 ss:$0x1], $0xffff  }
0x253: {  	v10 =	vld.idx.msk [tilespmem:v10+s9+$0x0], $0xffff  }
0x254: {  	v11 =	vld.idx.msk [tilespmem:v11+s9+$0x0], $0xffff  }
0x255: {  	v12 =	vld.idx.msk [tilespmem:v12+s9+$0x0], $0xffff  }
0x256: {  	v9 =	vmul.f32 v16, v9;
	v13 =	vld.idx.msk [tilespmem:v13+s9+$0x0], $0xffff  }
0x257: {  	v14 =	vld.idx.msk [tilespmem:v14+s9+$0x0], $0xffff  }
0x258: {  	[tilespmem:v15+s3+$0x0] =	vst.idx.add.f32.msk $0xffff, v9  }
0x259: {  	v9 =	vld.idx.msk [tilespmem:v17+s9+$0x0], $0xffff  }
0x25a: {  	v15 =	vld.idx.msk [tilespmem:v18+s9+$0x0], $0xffff  }
0x25b: {  	v16 =	vld.idx.msk [tilespmem:v2+s2+$0x0 ss:$0x1], $0xffff  }
0x25c: {  	v17 =	vld.idx.msk [tilespmem:v5+s2+$0xFFFFFFD0 ss:$0x1], $0xffff  }
0x25d: {  	v18 =	vld.idx.msk [tilespmem:v5+s2+$0xFFFFFFE0 ss:$0x1], $0xffff  }
0x25e: {  	v19 =	vld.idx.msk [tilespmem:v5+s2+$0xFFFFFFF0 ss:$0x1], $0xffff  }
0x25f: {  	v20 =	vld.idx.msk [tilespmem:v5+s2+$0x0 ss:$0x1], $0xffff  }
0x260: {  	v21 =	vld.idx.msk [tilespmem:v5+s2+$0x10 ss:$0x1], $0xffff  }
0x261: {  	v16 =	vmul.f32 v16, v10;
	v22 =	vld.idx.msk [tilespmem:v5+s2+$0x20 ss:$0x1], $0xffff  }
0x262: {  	v11 =	vmul.f32 v17, v11;
	v23 =	vld.idx.msk [tilespmem:v0+s2+$0x0 ss:$0x1], $0xffff  }
0x263: {  	v12 =	vmul.f32 v18, v12;
	v17 =	vld.idx.msk [tilespmem:v3+s2+$0xFFFFFFD0 ss:$0x1], $0xffff  }
0x264: {  	v13 =	vmul.f32 v19, v13;
	v18 =	vld.idx.msk [tilespmem:v3+s2+$0xFFFFFFE0 ss:$0x1], $0xffff  }
0x265: {  	v14 =	vmul.f32 v20, v14;
	v19 =	vld.idx.msk [tilespmem:v3+s2+$0xFFFFFFF0 ss:$0x1], $0xffff  }
0x266: {  	v10 =	vmul.f32 v21, v9;
	v20 =	vld.idx.msk [tilespmem:v3+s2+$0x0 ss:$0x1], $0xffff  }
0x267: {  	v15 =	vmul.f32 v22, v15;
	v9 =	vld.idx.msk [tilespmem:v3+s2+$0x10 ss:$0x1], $0xffff  }
0x268: {  	v21 =	vld.idx.msk [tilespmem:v3+s2+$0x20 ss:$0x1], $0xffff  }
0x269: {  	[tilespmem:v8+s3+$0x0] =	vst.idx.add.f32.msk $0xffff, v7;
	v7 =	vmov v15  }
.Ltmp4:
0x26a: {  	[tilespmem:v23+s3+$0x0] =	vst.idx.add.f32.msk $0xffff, v16;
	(pc) =	sbr.rel @p0 .LBB2_10-.Ltmp4, $4  }
0x26b: {  	[tilespmem:v17+s3+$0x0] =	vst.idx.add.f32.msk $0xffff, v11  }
0x26c: {  	[tilespmem:v18+s3+$0x0] =	vst.idx.add.f32.msk $0xffff, v12  }
0x26d: {  	[tilespmem:v19+s3+$0x0] =	vst.idx.add.f32.msk $0xffff, v13;
	v8 =	vmov v21  }
0x26e: {  	s1 =	sadd.s32 $0x200, s1;
	[tilespmem:v20+s3+$0x0] =	vst.idx.add.f32.msk $0xffff, v14  }
0x26f: {  	_ =	sdelay $0x3  }
0x270: {  	[tilespmem:v9+s3+$0x0] =	vst.idx.add.f32.msk $0xffff, v10  }
0x271: {  	[tilespmem:v8+s3+$0x0] =	vst.idx.add.f32.msk $0xffff, v7  }
0x272: {  	s0 =	rddreg [dreg:$0x12]  }
0x273: {  	v7 =	vld [tilespmem:s0+$0x9D80];
	_ =	sdelay $0x5  }
0x274: {  	v8 =	vld [tilespmem:s0+$0x4F00]  }
0x275: {  	v9 =	vld [tilespmem:s0+$0xEC00]  }
0x276: {  	v7 =	vld.idx.msk [tilespmem:v7+s9+$0x0], $0xffff;
	_ =	sdelay $0x4  }
0x277: {  	v7 =	vmul.f32 v9, v7;
	_ =	sdelay $0x1  }
0x278: {  	s10 =	simm.s32 $0x80;
	s11 =	simm.s32 $0x400;
	s30 =	rddreg [dreg:$0x13];
	[tilespmem:v8+s3+$0x0] =	vst.idx.add.f32.msk $0xffff, v7  }
0x279: {  	[hbm4b:s30+s10] =	stream.strided.scatter [tilespmem:s3], [sflag:$0x4], $0x2800, s11, s10, $0x38;
	[tilespmem:$0x1DF80] =	vst v63  }
0x27a: {  	_ =	swait.ge [sflag:s13], $0x2800  }
0x27b: {  	s1 =	rddreg [dreg:$0x15]  }
0x27c: {  	s31 =	rddreg [dreg:$0x14];
	s1 =	sadd.s32 $0x1, s1  }
0x27d: {  	p0 =	sne.s32 s1, s31  }
.Ltmp5:
0x27e: {  	_ = 	snop;
	(pc) =	sbr.rel @p0 .LBB2_1-.Ltmp5, $3  }
0x27f: {  	_ =	sdelay $0x1  }
0x280: {  	[sflag:s13] =	ssyncset.done $0x0  }
0x281: {  	s12 =	simm.s32 $0x0;
	s8 =	simm.s32 $0x2780;
	[sflag:s13] =	ssyncadd.s32 $0xFFFFD800  }
0x282: {  	_ =	sfence.sel $0x180000  }
0x283: {  	[bflag:$0x0] =	sbarrier.arrive $0xFFFF  }
0x284: {  	_ =	strace $0x90000047  }
0x285: {  	s0 =	stileid.u32;
	[bflag:$0x2] =	sbarrier.arrive $0xFFFF  }
0x286: {  	p0 =	sne.s32 s0, $0x0;
	s0 =	rddreg [dreg:$0x3]  }
0x287: {  	s0 =	sadd.s32 @!p0 $0x100000, s0  }
0x288: {  	[sflag:s0] =	ssyncadd.tile.s32 @!p0 $0x1;
	_ =	shalt  }
.Lfunc_end2:
_tile_overlayer_lowered:
.L_overlay_start_2:
0x289: {  	(tag) =	ssettag $0x2  }
0x28a: {  	s0 =	rddreg [dreg:$0x0];
	s2 =	stileid.u32  }
0x28b: {  	s1 =	rddreg [dreg:$0x1];
	p0 =	sne.s32 s2, $0x0  }
0x28c: {  	s3 =	rddreg [dreg:$0x2];
	[bflag:$0x3] =	sbarrier.arrive $0xFFFF;
	s2 =	simm.s32 @!p0 $0x1C04  }
0x28d: {  	[timem:s3], [sflag:s2] =	dma.local @!p0 [hbm:s0], s1  }
0x28e: {  	s0 =	simm.s32 @!p0 $0x4  }
0x28f: {  	_ =	swait.ge @!p0 [sflag:s0], s1  }
0x290: {  	s1 =	ssub.s32 @!p0 $0x0, s1;
	[sflag:s0] =	ssyncset.done @!p0 $0x0  }
0x291: {  	[sflag:s0] =	ssyncadd.s32 @!p0 s1  }
0x292: {  	[bflag:$0x3] =	sbarrier.arrive $0xFFFF  }
0x293: {  	_ =	shalt  }

</sc_bundles>
